<compile_context>
chip_gen: v7x
topology: tpu7x:2x2x1
jax: 0.10.2.dev20260603
libtpu: 0.0.44.dev20260713+nightly
codegen_flags: <defaults>
</compile_context>

<pallas_src>
import functools

import jax
from jax import lax
from jax.experimental import pallas as pl
from jax.experimental.pallas import tpu as pltpu
from jax.experimental.pallas import tpu_sc as plsc

_NUM_SAMPLES = 32


def kernel(x):
    C, T, H, W = x.shape
    n = _NUM_SAMPLES
    hch = 128
    nch = H // hch
    nbuf = 3
    rows = C * n
    nw = 32
    per_w = rows // nw
    total = per_w * nch
    assert per_w * nw == rows and nch * hch == H

    mesh = plsc.VectorSubcoreMesh(core_axis_name="c", subcore_axis_name="s")

    x2 = x.reshape(C * T * H, W)

    @functools.partial(
        pl.kernel,
        mesh=mesh,
        out_type=jax.ShapeDtypeStruct((rows * H, W), x.dtype),
        scratch_types=[pltpu.VMEM((hch, W), x.dtype) for _ in range(nbuf)]
        + [pltpu.SemaphoreType.DMA] * (2 * nbuf),
    )
    def k(x_hbm, out_hbm, *scratch):
        vbuf = scratch[:nbuf]
        gsem, ssem = scratch[nbuf : 2 * nbuf], scratch[2 * nbuf :]
        wid = lax.axis_index("s") * 2 + lax.axis_index("c")

        def src_dst(q):
            frame, ch = q // nch, q % nch
            r = wid * per_w + frame
            c = r // n
            t = r % n
            tsrc = (t * (T - 1)) // (n - 1)
            src = x_hbm.at[pl.ds((c * T + tsrc) * H + ch * hch, hch), :]
            dst = out_hbm.at[pl.ds(r * H + ch * hch, hch), :]
            return src, dst

        def start_gather(q, b):
            src, _ = src_dst(q)
            pltpu.make_async_copy(src, vbuf[b], gsem[b]).start()

        for q in range(min(nbuf, total)):
            start_gather(q, q % nbuf)
        for q in range(total):
            b = q % nbuf
            src, dst = src_dst(q)
            pltpu.make_async_copy(src, vbuf[b], gsem[b]).wait()
            scat = pltpu.make_async_copy(vbuf[b], dst, ssem[b])
            scat.start()
            if q + nbuf < total:
                scat.wait()
                start_gather(q + nbuf, b)
        for q in range(max(0, total - nbuf), total):
            b = q % nbuf
            _, dst = src_dst(q)
            pltpu.make_async_copy(vbuf[b], dst, ssem[b]).wait()

    return k(x2).reshape(C, n, H, W)

# --- scband reference (transcript-rebuilt; emitter-appended) ---
"""Pipeline reference for scband-uniform-temporal-subsample-8924942041761 (READ-ONLY COPY).

The authoritative reference and input builder live on the scoring server;
editing this copy changes nothing except your own understanding.
"""

import jax, jax.numpy as jnp
import numpy as np

NUM_SAMPLES = 32

def setup_inputs(seed: int = 0) -> dict:
    key = jax.random.key(seed)
    x = jax.random.normal(key, (3, 128, 256, 256), dtype=jnp.float32)
    return {"x": x}

def reference(x: jnp.ndarray) -> jnp.ndarray:
    # Faithful port of pytorchvideo.transforms.functional.uniform_temporal_subsample
    # temporal_dim = 1 for (C, T, H, W) input (original default temporal_dim=-3)
    t = x.shape[1]
    indices = jnp.linspace(0.0, float(t - 1), NUM_SAMPLES)
    indices = jnp.clip(indices, 0.0, float(t - 1)).astype(jnp.int64)  # .long() truncates
    return jnp.take(x, indices, axis=1)

if __name__ == "__main__":
    import jax
    _d = setup_inputs()
    print(jax.jit(kernel)(*tuple(_d.values())))

</pallas_src>

<mosaic_0001>
#map = affine_map<(d0, d1) -> (0, 0)>
module attributes {stable_mosaic.version = 14 : i64} {
  func.func @k(%arg0: i32, %arg1: i32, %arg2: memref<98304x256xf32, #tpu.memory_space<hbm>>, %arg3: memref<24576x256xf32, #tpu.memory_space<hbm>>, %arg4: memref<128x256xf32, #tpu.memory_space<vmem>>, %arg5: memref<128x256xf32, #tpu.memory_space<vmem>>, %arg6: memref<128x256xf32, #tpu.memory_space<vmem>>, %arg7: memref<!tpu.dma_semaphore, #tpu.memory_space<semaphore_mem>>, %arg8: memref<!tpu.dma_semaphore, #tpu.memory_space<semaphore_mem>>, %arg9: memref<!tpu.dma_semaphore, #tpu.memory_space<semaphore_mem>>, %arg10: memref<!tpu.dma_semaphore, #tpu.memory_space<semaphore_mem>>, %arg11: memref<!tpu.dma_semaphore, #tpu.memory_space<semaphore_mem>>, %arg12: memref<!tpu.dma_semaphore, #tpu.memory_space<semaphore_mem>>) attributes {dimension_semantics = [#tpu.dimension_semantics<core_parallel>, #tpu.dimension_semantics<subcore_parallel>], iteration_bounds = array<i64: 2, 16>, scalar_prefetch = 0 : i64, scratch_operands = 9 : i64, tpu.core_type = #tpu.core_type<sc_vector_subcore>, window_params = [{transform_indices = #map}, {transform_indices = #map}]} {
    %mul3A = arith.constant 2 : i32
    %mul3A_0 = arith.muli %arg1, %mul3A : i32
    %add3A = arith.addi %mul3A_0, %arg0 : i32
    %mul3A_1 = arith.constant 3 : i32
    %mul3A_2 = arith.muli %add3A, %mul3A_1 : i32
    %add3A_3 = arith.constant 0 : i32
    %add3A_4 = arith.addi %mul3A_2, %add3A_3 : i32
    %jit3A = arith.constant 32 : i32
    %div3A = arith.divsi %add3A_4, %jit3A : i32
    %sign3A = arith.constant 0 : i32
    %sign3A_5 = arith.cmpi sgt, %add3A_4, %sign3A : i32
    %sign3A_6 = arith.extui %sign3A_5 : i1 to i32
    %sign3A_7 = arith.constant 0 : i32
    %sign3A_8 = arith.cmpi slt, %add3A_4, %sign3A_7 : i32
    %sign3A_9 = arith.extui %sign3A_8 : i1 to i32
    %sign3A_10 = arith.subi %sign3A_6, %sign3A_9 : i32
    %sign3A_11 = arith.constant 0 : i32
    %sign3A_12 = arith.cmpi sgt, %jit3A, %sign3A_11 : i32
    %sign3A_13 = arith.extui %sign3A_12 : i1 to i32
    %sign3A_14 = arith.constant 0 : i32
    %sign3A_15 = arith.cmpi slt, %jit3A, %sign3A_14 : i32
    %sign3A_16 = arith.extui %sign3A_15 : i1 to i32
    %sign3A_17 = arith.subi %sign3A_13, %sign3A_16 : i32
    %ne3A = arith.cmpi ne, %sign3A_10, %sign3A_17 : i32
    %rem3A = arith.remsi %add3A_4, %jit3A : i32
    %ne3A_18 = arith.constant 0 : i32
    %ne3A_19 = arith.cmpi ne, %rem3A, %ne3A_18 : i32
    %and3A = arith.andi %ne3A, %ne3A_19 : i1
    %sub3A = arith.constant 1 : i32
    %sub3A_20 = arith.subi %div3A, %sub3A : i32
    %select_n3A = arith.select %and3A, %sub3A_20, %div3A : i32
    %jit3A_21 = arith.constant 32 : i32
    %eq3A = arith.constant 0 : i32
    %eq3A_22 = arith.cmpi eq, %jit3A_21, %eq3A : i32
    %jit3A_23 = arith.constant 1 : i32
    %select_n3A_24 = arith.select %eq3A_22, %jit3A_23, %jit3A_21 : i32
    %rem3A_25 = arith.remsi %add3A_4, %select_n3A_24 : i32
    %ne3A_26 = arith.constant 0 : i32
    %ne3A_27 = arith.cmpi ne, %rem3A_25, %ne3A_26 : i32
    %lt3A = arith.constant 0 : i32
    %lt3A_28 = arith.cmpi slt, %rem3A_25, %lt3A : i32
    %lt3A_29 = arith.constant 0 : i32
    %lt3A_30 = arith.cmpi slt, %select_n3A_24, %lt3A_29 : i32
    %ne3A_31 = arith.xori %lt3A_28, %lt3A_30 : i1
    %and3A_32 = arith.andi %ne3A_31, %ne3A_27 : i1
    %add3A_33 = arith.addi %rem3A_25, %select_n3A_24 : i32
    %select_n3A_34 = arith.select %and3A_32, %add3A_33, %rem3A_25 : i32
    %mul3A_35 = arith.constant 127 : i32
    %mul3A_36 = arith.muli %select_n3A_34, %mul3A_35 : i32
    %jit3A_37 = arith.constant 31 : i32
    %div3A_38 = arith.divsi %mul3A_36, %jit3A_37 : i32
    %sign3A_39 = arith.constant 0 : i32
    %sign3A_40 = arith.cmpi sgt, %mul3A_36, %sign3A_39 : i32
    %sign3A_41 = arith.extui %sign3A_40 : i1 to i32
    %sign3A_42 = arith.constant 0 : i32
    %sign3A_43 = arith.cmpi slt, %mul3A_36, %sign3A_42 : i32
    %sign3A_44 = arith.extui %sign3A_43 : i1 to i32
    %sign3A_45 = arith.subi %sign3A_41, %sign3A_44 : i32
    %sign3A_46 = arith.constant 0 : i32
    %sign3A_47 = arith.cmpi sgt, %jit3A_37, %sign3A_46 : i32
    %sign3A_48 = arith.extui %sign3A_47 : i1 to i32
    %sign3A_49 = arith.constant 0 : i32
    %sign3A_50 = arith.cmpi slt, %jit3A_37, %sign3A_49 : i32
    %sign3A_51 = arith.extui %sign3A_50 : i1 to i32
    %sign3A_52 = arith.subi %sign3A_48, %sign3A_51 : i32
    %ne3A_53 = arith.cmpi ne, %sign3A_45, %sign3A_52 : i32
    %rem3A_54 = arith.remsi %mul3A_36, %jit3A_37 : i32
    %ne3A_55 = arith.constant 0 : i32
    %ne3A_56 = arith.cmpi ne, %rem3A_54, %ne3A_55 : i32
    %and3A_57 = arith.andi %ne3A_53, %ne3A_56 : i1
    %sub3A_58 = arith.constant 1 : i32
    %sub3A_59 = arith.subi %div3A_38, %sub3A_58 : i32
    %select_n3A_60 = arith.select %and3A_57, %sub3A_59, %div3A_38 : i32
    %mul3A_61 = arith.constant 128 : i32
    %mul3A_62 = arith.muli %select_n3A, %mul3A_61 : i32
    %add3A_63 = arith.addi %mul3A_62, %select_n3A_60 : i32
    %mul3A_64 = arith.constant 256 : i32
    %mul3A_65 = arith.muli %add3A_63, %mul3A_64 : i32
    %add3A_66 = arith.constant 0 : i32
    %add3A_67 = arith.addi %mul3A_65, %add3A_66 : i32
    %mul3A_68 = arith.constant 256 : i32
    %mul3A_69 = arith.muli %add3A_4, %mul3A_68 : i32
    %add3A_70 = arith.constant 0 : i32
    %add3A_71 = arith.addi %mul3A_69, %add3A_70 : i32
    %dma_start3A = arith.constant 0 : i32
    %dma_start3A_72 = tpu.memref_slice %arg2[%add3A_67, %dma_start3A] : memref<98304x256xf32, #tpu.memory_space<hbm>> -> memref<128x256xf32, #tpu.memory_space<hbm>>
    %dma_start3A_73 = arith.constant 0 : i32
    %dma_start3A_74 = tpu.memref_slice %arg2[%add3A_67, %dma_start3A_73] : memref<98304x256xf32, #tpu.memory_space<hbm>> -> memref<128x256xf32, #tpu.memory_space<hbm>>
    tpu.enqueue_dma source(%dma_start3A_74 : memref<128x256xf32, #tpu.memory_space<hbm>>) target(%arg4 : memref<128x256xf32, #tpu.memory_space<vmem>>) target_semaphore(%arg7 : memref<!tpu.dma_semaphore, #tpu.memory_space<semaphore_mem>>)
    %mul3A_75 = arith.constant 3 : i32
    %mul3A_76 = arith.muli %add3A, %mul3A_75 : i32
    %add3A_77 = arith.constant 0 : i32
    %add3A_78 = arith.addi %mul3A_76, %add3A_77 : i32
    %jit3A_79 = arith.constant 32 : i32
    %div3A_80 = arith.divsi %add3A_78, %jit3A_79 : i32
    %sign3A_81 = arith.constant 0 : i32
    %sign3A_82 = arith.cmpi sgt, %add3A_78, %sign3A_81 : i32
    %sign3A_83 = arith.extui %sign3A_82 : i1 to i32
    %sign3A_84 = arith.constant 0 : i32
    %sign3A_85 = arith.cmpi slt, %add3A_78, %sign3A_84 : i32
    %sign3A_86 = arith.extui %sign3A_85 : i1 to i32
    %sign3A_87 = arith.subi %sign3A_83, %sign3A_86 : i32
    %sign3A_88 = arith.constant 0 : i32
    %sign3A_89 = arith.cmpi sgt, %jit3A_79, %sign3A_88 : i32
    %sign3A_90 = arith.extui %sign3A_89 : i1 to i32
    %sign3A_91 = arith.constant 0 : i32
    %sign3A_92 = arith.cmpi slt, %jit3A_79, %sign3A_91 : i32
    %sign3A_93 = arith.extui %sign3A_92 : i1 to i32
    %sign3A_94 = arith.subi %sign3A_90, %sign3A_93 : i32
    %ne3A_95 = arith.cmpi ne, %sign3A_87, %sign3A_94 : i32
    %rem3A_96 = arith.remsi %add3A_78, %jit3A_79 : i32
    %ne3A_97 = arith.constant 0 : i32
    %ne3A_98 = arith.cmpi ne, %rem3A_96, %ne3A_97 : i32
    %and3A_99 = arith.andi %ne3A_95, %ne3A_98 : i1
    %sub3A_100 = arith.constant 1 : i32
    %sub3A_101 = arith.subi %div3A_80, %sub3A_100 : i32
    %select_n3A_102 = arith.select %and3A_99, %sub3A_101, %div3A_80 : i32
    %jit3A_103 = arith.constant 32 : i32
    %eq3A_104 = arith.constant 0 : i32
    %eq3A_105 = arith.cmpi eq, %jit3A_103, %eq3A_104 : i32
    %jit3A_106 = arith.constant 1 : i32
    %select_n3A_107 = arith.select %eq3A_105, %jit3A_106, %jit3A_103 : i32
    %rem3A_108 = arith.remsi %add3A_78, %select_n3A_107 : i32
    %ne3A_109 = arith.constant 0 : i32
    %ne3A_110 = arith.cmpi ne, %rem3A_108, %ne3A_109 : i32
    %lt3A_111 = arith.constant 0 : i32
    %lt3A_112 = arith.cmpi slt, %rem3A_108, %lt3A_111 : i32
    %lt3A_113 = arith.constant 0 : i32
    %lt3A_114 = arith.cmpi slt, %select_n3A_107, %lt3A_113 : i32
    %ne3A_115 = arith.xori %lt3A_112, %lt3A_114 : i1
    %and3A_116 = arith.andi %ne3A_115, %ne3A_110 : i1
    %add3A_117 = arith.addi %rem3A_108, %select_n3A_107 : i32
    %select_n3A_118 = arith.select %and3A_116, %add3A_117, %rem3A_108 : i32
    %mul3A_119 = arith.constant 127 : i32
    %mul3A_120 = arith.muli %select_n3A_118, %mul3A_119 : i32
    %jit3A_121 = arith.constant 31 : i32
    %div3A_122 = arith.divsi %mul3A_120, %jit3A_121 : i32
    %sign3A_123 = arith.constant 0 : i32
    %sign3A_124 = arith.cmpi sgt, %mul3A_120, %sign3A_123 : i32
    %sign3A_125 = arith.extui %sign3A_124 : i1 to i32
    %sign3A_126 = arith.constant 0 : i32
    %sign3A_127 = arith.cmpi slt, %mul3A_120, %sign3A_126 : i32
    %sign3A_128 = arith.extui %sign3A_127 : i1 to i32
    %sign3A_129 = arith.subi %sign3A_125, %sign3A_128 : i32
    %sign3A_130 = arith.constant 0 : i32
    %sign3A_131 = arith.cmpi sgt, %jit3A_121, %sign3A_130 : i32
    %sign3A_132 = arith.extui %sign3A_131 : i1 to i32
    %sign3A_133 = arith.constant 0 : i32
    %sign3A_134 = arith.cmpi slt, %jit3A_121, %sign3A_133 : i32
    %sign3A_135 = arith.extui %sign3A_134 : i1 to i32
    %sign3A_136 = arith.subi %sign3A_132, %sign3A_135 : i32
    %ne3A_137 = arith.cmpi ne, %sign3A_129, %sign3A_136 : i32
    %rem3A_138 = arith.remsi %mul3A_120, %jit3A_121 : i32
    %ne3A_139 = arith.constant 0 : i32
    %ne3A_140 = arith.cmpi ne, %rem3A_138, %ne3A_139 : i32
    %and3A_141 = arith.andi %ne3A_137, %ne3A_140 : i1
    %sub3A_142 = arith.constant 1 : i32
    %sub3A_143 = arith.subi %div3A_122, %sub3A_142 : i32
    %select_n3A_144 = arith.select %and3A_141, %sub3A_143, %div3A_122 : i32
    %mul3A_145 = arith.constant 128 : i32
    %mul3A_146 = arith.muli %select_n3A_102, %mul3A_145 : i32
    %add3A_147 = arith.addi %mul3A_146, %select_n3A_144 : i32
    %mul3A_148 = arith.constant 256 : i32
    %mul3A_149 = arith.muli %add3A_147, %mul3A_148 : i32
    %add3A_150 = arith.constant 128 : i32
    %add3A_151 = arith.addi %mul3A_149, %add3A_150 : i32
    %mul3A_152 = arith.constant 256 : i32
    %mul3A_153 = arith.muli %add3A_78, %mul3A_152 : i32
    %add3A_154 = arith.constant 128 : i32
    %add3A_155 = arith.addi %mul3A_153, %add3A_154 : i32
    %dma_start3A_156 = arith.constant 0 : i32
    %dma_start3A_157 = tpu.memref_slice %arg2[%add3A_151, %dma_start3A_156] : memref<98304x256xf32, #tpu.memory_space<hbm>> -> memref<128x256xf32, #tpu.memory_space<hbm>>
    %dma_start3A_158 = arith.constant 0 : i32
    %dma_start3A_159 = tpu.memref_slice %arg2[%add3A_151, %dma_start3A_158] : memref<98304x256xf32, #tpu.memory_space<hbm>> -> memref<128x256xf32, #tpu.memory_space<hbm>>
    tpu.enqueue_dma source(%dma_start3A_159 : memref<128x256xf32, #tpu.memory_space<hbm>>) target(%arg5 : memref<128x256xf32, #tpu.memory_space<vmem>>) target_semaphore(%arg8 : memref<!tpu.dma_semaphore, #tpu.memory_space<semaphore_mem>>)
    %mul3A_160 = arith.constant 3 : i32
    %mul3A_161 = arith.muli %add3A, %mul3A_160 : i32
    %add3A_162 = arith.constant 1 : i32
    %add3A_163 = arith.addi %mul3A_161, %add3A_162 : i32
    %jit3A_164 = arith.constant 32 : i32
    %div3A_165 = arith.divsi %add3A_163, %jit3A_164 : i32
    %sign3A_166 = arith.constant 0 : i32
    %sign3A_167 = arith.cmpi sgt, %add3A_163, %sign3A_166 : i32
    %sign3A_168 = arith.extui %sign3A_167 : i1 to i32
    %sign3A_169 = arith.constant 0 : i32
    %sign3A_170 = arith.cmpi slt, %add3A_163, %sign3A_169 : i32
    %sign3A_171 = arith.extui %sign3A_170 : i1 to i32
    %sign3A_172 = arith.subi %sign3A_168, %sign3A_171 : i32
    %sign3A_173 = arith.constant 0 : i32
    %sign3A_174 = arith.cmpi sgt, %jit3A_164, %sign3A_173 : i32
    %sign3A_175 = arith.extui %sign3A_174 : i1 to i32
    %sign3A_176 = arith.constant 0 : i32
    %sign3A_177 = arith.cmpi slt, %jit3A_164, %sign3A_176 : i32
    %sign3A_178 = arith.extui %sign3A_177 : i1 to i32
    %sign3A_179 = arith.subi %sign3A_175, %sign3A_178 : i32
    %ne3A_180 = arith.cmpi ne, %sign3A_172, %sign3A_179 : i32
    %rem3A_181 = arith.remsi %add3A_163, %jit3A_164 : i32
    %ne3A_182 = arith.constant 0 : i32
    %ne3A_183 = arith.cmpi ne, %rem3A_181, %ne3A_182 : i32
    %and3A_184 = arith.andi %ne3A_180, %ne3A_183 : i1
    %sub3A_185 = arith.constant 1 : i32
    %sub3A_186 = arith.subi %div3A_165, %sub3A_185 : i32
    %select_n3A_187 = arith.select %and3A_184, %sub3A_186, %div3A_165 : i32
    %jit3A_188 = arith.constant 32 : i32
    %eq3A_189 = arith.constant 0 : i32
    %eq3A_190 = arith.cmpi eq, %jit3A_188, %eq3A_189 : i32
    %jit3A_191 = arith.constant 1 : i32
    %select_n3A_192 = arith.select %eq3A_190, %jit3A_191, %jit3A_188 : i32
    %rem3A_193 = arith.remsi %add3A_163, %select_n3A_192 : i32
    %ne3A_194 = arith.constant 0 : i32
    %ne3A_195 = arith.cmpi ne, %rem3A_193, %ne3A_194 : i32
    %lt3A_196 = arith.constant 0 : i32
    %lt3A_197 = arith.cmpi slt, %rem3A_193, %lt3A_196 : i32
    %lt3A_198 = arith.constant 0 : i32
    %lt3A_199 = arith.cmpi slt, %select_n3A_192, %lt3A_198 : i32
    %ne3A_200 = arith.xori %lt3A_197, %lt3A_199 : i1
    %and3A_201 = arith.andi %ne3A_200, %ne3A_195 : i1
    %add3A_202 = arith.addi %rem3A_193, %select_n3A_192 : i32
    %select_n3A_203 = arith.select %and3A_201, %add3A_202, %rem3A_193 : i32
    %mul3A_204 = arith.constant 127 : i32
    %mul3A_205 = arith.muli %select_n3A_203, %mul3A_204 : i32
    %jit3A_206 = arith.constant 31 : i32
    %div3A_207 = arith.divsi %mul3A_205, %jit3A_206 : i32
    %sign3A_208 = arith.constant 0 : i32
    %sign3A_209 = arith.cmpi sgt, %mul3A_205, %sign3A_208 : i32
    %sign3A_210 = arith.extui %sign3A_209 : i1 to i32
    %sign3A_211 = arith.constant 0 : i32
    %sign3A_212 = arith.cmpi slt, %mul3A_205, %sign3A_211 : i32
    %sign3A_213 = arith.extui %sign3A_212 : i1 to i32
    %sign3A_214 = arith.subi %sign3A_210, %sign3A_213 : i32
    %sign3A_215 = arith.constant 0 : i32
    %sign3A_216 = arith.cmpi sgt, %jit3A_206, %sign3A_215 : i32
    %sign3A_217 = arith.extui %sign3A_216 : i1 to i32
    %sign3A_218 = arith.constant 0 : i32
    %sign3A_219 = arith.cmpi slt, %jit3A_206, %sign3A_218 : i32
    %sign3A_220 = arith.extui %sign3A_219 : i1 to i32
    %sign3A_221 = arith.subi %sign3A_217, %sign3A_220 : i32
    %ne3A_222 = arith.cmpi ne, %sign3A_214, %sign3A_221 : i32
    %rem3A_223 = arith.remsi %mul3A_205, %jit3A_206 : i32
    %ne3A_224 = arith.constant 0 : i32
    %ne3A_225 = arith.cmpi ne, %rem3A_223, %ne3A_224 : i32
    %and3A_226 = arith.andi %ne3A_222, %ne3A_225 : i1
    %sub3A_227 = arith.constant 1 : i32
    %sub3A_228 = arith.subi %div3A_207, %sub3A_227 : i32
    %select_n3A_229 = arith.select %and3A_226, %sub3A_228, %div3A_207 : i32
    %mul3A_230 = arith.constant 128 : i32
    %mul3A_231 = arith.muli %select_n3A_187, %mul3A_230 : i32
    %add3A_232 = arith.addi %mul3A_231, %select_n3A_229 : i32
    %mul3A_233 = arith.constant 256 : i32
    %mul3A_234 = arith.muli %add3A_232, %mul3A_233 : i32
    %add3A_235 = arith.constant 0 : i32
    %add3A_236 = arith.addi %mul3A_234, %add3A_235 : i32
    %mul3A_237 = arith.constant 256 : i32
    %mul3A_238 = arith.muli %add3A_163, %mul3A_237 : i32
    %add3A_239 = arith.constant 0 : i32
    %add3A_240 = arith.addi %mul3A_238, %add3A_239 : i32
    %dma_start3A_241 = arith.constant 0 : i32
    %dma_start3A_242 = tpu.memref_slice %arg2[%add3A_236, %dma_start3A_241] : memref<98304x256xf32, #tpu.memory_space<hbm>> -> memref<128x256xf32, #tpu.memory_space<hbm>>
    %dma_start3A_243 = arith.constant 0 : i32
    %dma_start3A_244 = tpu.memref_slice %arg2[%add3A_236, %dma_start3A_243] : memref<98304x256xf32, #tpu.memory_space<hbm>> -> memref<128x256xf32, #tpu.memory_space<hbm>>
    tpu.enqueue_dma source(%dma_start3A_244 : memref<128x256xf32, #tpu.memory_space<hbm>>) target(%arg6 : memref<128x256xf32, #tpu.memory_space<vmem>>) target_semaphore(%arg9 : memref<!tpu.dma_semaphore, #tpu.memory_space<semaphore_mem>>)
    %mul3A_245 = arith.constant 3 : i32
    %mul3A_246 = arith.muli %add3A, %mul3A_245 : i32
    %add3A_247 = arith.constant 0 : i32
    %add3A_248 = arith.addi %mul3A_246, %add3A_247 : i32
    %jit3A_249 = arith.constant 32 : i32
    %div3A_250 = arith.divsi %add3A_248, %jit3A_249 : i32
    %sign3A_251 = arith.constant 0 : i32
    %sign3A_252 = arith.cmpi sgt, %add3A_248, %sign3A_251 : i32
    %sign3A_253 = arith.extui %sign3A_252 : i1 to i32
    %sign3A_254 = arith.constant 0 : i32
    %sign3A_255 = arith.cmpi slt, %add3A_248, %sign3A_254 : i32
    %sign3A_256 = arith.extui %sign3A_255 : i1 to i32
    %sign3A_257 = arith.subi %sign3A_253, %sign3A_256 : i32
    %sign3A_258 = arith.constant 0 : i32
    %sign3A_259 = arith.cmpi sgt, %jit3A_249, %sign3A_258 : i32
    %sign3A_260 = arith.extui %sign3A_259 : i1 to i32
    %sign3A_261 = arith.constant 0 : i32
    %sign3A_262 = arith.cmpi slt, %jit3A_249, %sign3A_261 : i32
    %sign3A_263 = arith.extui %sign3A_262 : i1 to i32
    %sign3A_264 = arith.subi %sign3A_260, %sign3A_263 : i32
    %ne3A_265 = arith.cmpi ne, %sign3A_257, %sign3A_264 : i32
    %rem3A_266 = arith.remsi %add3A_248, %jit3A_249 : i32
    %ne3A_267 = arith.constant 0 : i32
    %ne3A_268 = arith.cmpi ne, %rem3A_266, %ne3A_267 : i32
    %and3A_269 = arith.andi %ne3A_265, %ne3A_268 : i1
    %sub3A_270 = arith.constant 1 : i32
    %sub3A_271 = arith.subi %div3A_250, %sub3A_270 : i32
    %select_n3A_272 = arith.select %and3A_269, %sub3A_271, %div3A_250 : i32
    %jit3A_273 = arith.constant 32 : i32
    %eq3A_274 = arith.constant 0 : i32
    %eq3A_275 = arith.cmpi eq, %jit3A_273, %eq3A_274 : i32
    %jit3A_276 = arith.constant 1 : i32
    %select_n3A_277 = arith.select %eq3A_275, %jit3A_276, %jit3A_273 : i32
    %rem3A_278 = arith.remsi %add3A_248, %select_n3A_277 : i32
    %ne3A_279 = arith.constant 0 : i32
    %ne3A_280 = arith.cmpi ne, %rem3A_278, %ne3A_279 : i32
    %lt3A_281 = arith.constant 0 : i32
    %lt3A_282 = arith.cmpi slt, %rem3A_278, %lt3A_281 : i32
    %lt3A_283 = arith.constant 0 : i32
    %lt3A_284 = arith.cmpi slt, %select_n3A_277, %lt3A_283 : i32
    %ne3A_285 = arith.xori %lt3A_282, %lt3A_284 : i1
    %and3A_286 = arith.andi %ne3A_285, %ne3A_280 : i1
    %add3A_287 = arith.addi %rem3A_278, %select_n3A_277 : i32
    %select_n3A_288 = arith.select %and3A_286, %add3A_287, %rem3A_278 : i32
    %mul3A_289 = arith.constant 127 : i32
    %mul3A_290 = arith.muli %select_n3A_288, %mul3A_289 : i32
    %jit3A_291 = arith.constant 31 : i32
    %div3A_292 = arith.divsi %mul3A_290, %jit3A_291 : i32
    %sign3A_293 = arith.constant 0 : i32
    %sign3A_294 = arith.cmpi sgt, %mul3A_290, %sign3A_293 : i32
    %sign3A_295 = arith.extui %sign3A_294 : i1 to i32
    %sign3A_296 = arith.constant 0 : i32
    %sign3A_297 = arith.cmpi slt, %mul3A_290, %sign3A_296 : i32
    %sign3A_298 = arith.extui %sign3A_297 : i1 to i32
    %sign3A_299 = arith.subi %sign3A_295, %sign3A_298 : i32
    %sign3A_300 = arith.constant 0 : i32
    %sign3A_301 = arith.cmpi sgt, %jit3A_291, %sign3A_300 : i32
    %sign3A_302 = arith.extui %sign3A_301 : i1 to i32
    %sign3A_303 = arith.constant 0 : i32
    %sign3A_304 = arith.cmpi slt, %jit3A_291, %sign3A_303 : i32
    %sign3A_305 = arith.extui %sign3A_304 : i1 to i32
    %sign3A_306 = arith.subi %sign3A_302, %sign3A_305 : i32
    %ne3A_307 = arith.cmpi ne, %sign3A_299, %sign3A_306 : i32
    %rem3A_308 = arith.remsi %mul3A_290, %jit3A_291 : i32
    %ne3A_309 = arith.constant 0 : i32
    %ne3A_310 = arith.cmpi ne, %rem3A_308, %ne3A_309 : i32
    %and3A_311 = arith.andi %ne3A_307, %ne3A_310 : i1
    %sub3A_312 = arith.constant 1 : i32
    %sub3A_313 = arith.subi %div3A_292, %sub3A_312 : i32
    %select_n3A_314 = arith.select %and3A_311, %sub3A_313, %div3A_292 : i32
    %mul3A_315 = arith.constant 128 : i32
    %mul3A_316 = arith.muli %select_n3A_272, %mul3A_315 : i32
    %add3A_317 = arith.addi %mul3A_316, %select_n3A_314 : i32
    %mul3A_318 = arith.constant 256 : i32
    %mul3A_319 = arith.muli %add3A_317, %mul3A_318 : i32
    %add3A_320 = arith.constant 0 : i32
    %add3A_321 = arith.addi %mul3A_319, %add3A_320 : i32
    %mul3A_322 = arith.constant 256 : i32
    %mul3A_323 = arith.muli %add3A_248, %mul3A_322 : i32
    %add3A_324 = arith.constant 0 : i32
    %add3A_325 = arith.addi %mul3A_323, %add3A_324 : i32
    %dma_wait3A = arith.constant 0 : i32
    %dma_wait3A_326 = tpu.memref_slice %arg2[%add3A_321, %dma_wait3A] : memref<98304x256xf32, #tpu.memory_space<hbm>> -> memref<128x256xf32, #tpu.memory_space<hbm>>
    %dma_wait3A_327 = arith.constant 0 : i32
    %dma_wait3A_328 = tpu.memref_slice %arg2[%add3A_321, %dma_wait3A_327] : memref<98304x256xf32, #tpu.memory_space<hbm>> -> memref<128x256xf32, #tpu.memory_space<hbm>>
    tpu.wait_dma2 semaphore(%arg7 : memref<!tpu.dma_semaphore, #tpu.memory_space<semaphore_mem>>) src(%dma_wait3A_328 : memref<128x256xf32, #tpu.memory_space<hbm>>) dst(%arg4 : memref<128x256xf32, #tpu.memory_space<vmem>>)
    %dma_start3A_329 = arith.constant 0 : i32
    %dma_start3A_330 = tpu.memref_slice %arg3[%add3A_325, %dma_start3A_329] : memref<24576x256xf32, #tpu.memory_space<hbm>> -> memref<128x256xf32, #tpu.memory_space<hbm>>
    %dma_start3A_331 = arith.constant 0 : i32
    %dma_start3A_332 = tpu.memref_slice %arg3[%add3A_325, %dma_start3A_331] : memref<24576x256xf32, #tpu.memory_space<hbm>> -> memref<128x256xf32, #tpu.memory_space<hbm>>
    tpu.enqueue_dma source(%arg4 : memref<128x256xf32, #tpu.memory_space<vmem>>) target(%dma_start3A_332 : memref<128x256xf32, #tpu.memory_space<hbm>>) target_semaphore(%arg10 : memref<!tpu.dma_semaphore, #tpu.memory_space<semaphore_mem>>)
    %dma_wait3A_333 = arith.constant 0 : i32
    %dma_wait3A_334 = tpu.memref_slice %arg3[%add3A_325, %dma_wait3A_333] : memref<24576x256xf32, #tpu.memory_space<hbm>> -> memref<128x256xf32, #tpu.memory_space<hbm>>
    %dma_wait3A_335 = arith.constant 0 : i32
    %dma_wait3A_336 = tpu.memref_slice %arg3[%add3A_325, %dma_wait3A_335] : memref<24576x256xf32, #tpu.memory_space<hbm>> -> memref<128x256xf32, #tpu.memory_space<hbm>>
    tpu.wait_dma2 semaphore(%arg10 : memref<!tpu.dma_semaphore, #tpu.memory_space<semaphore_mem>>) src(%arg4 : memref<128x256xf32, #tpu.memory_space<vmem>>) dst(%dma_wait3A_336 : memref<128x256xf32, #tpu.memory_space<hbm>>)
    %mul3A_337 = arith.constant 3 : i32
    %mul3A_338 = arith.muli %add3A, %mul3A_337 : i32
    %add3A_339 = arith.constant 1 : i32
    %add3A_340 = arith.addi %mul3A_338, %add3A_339 : i32
    %jit3A_341 = arith.constant 32 : i32
    %div3A_342 = arith.divsi %add3A_340, %jit3A_341 : i32
    %sign3A_343 = arith.constant 0 : i32
    %sign3A_344 = arith.cmpi sgt, %add3A_340, %sign3A_343 : i32
    %sign3A_345 = arith.extui %sign3A_344 : i1 to i32
    %sign3A_346 = arith.constant 0 : i32
    %sign3A_347 = arith.cmpi slt, %add3A_340, %sign3A_346 : i32
    %sign3A_348 = arith.extui %sign3A_347 : i1 to i32
    %sign3A_349 = arith.subi %sign3A_345, %sign3A_348 : i32
    %sign3A_350 = arith.constant 0 : i32
    %sign3A_351 = arith.cmpi sgt, %jit3A_341, %sign3A_350 : i32
    %sign3A_352 = arith.extui %sign3A_351 : i1 to i32
    %sign3A_353 = arith.constant 0 : i32
    %sign3A_354 = arith.cmpi slt, %jit3A_341, %sign3A_353 : i32
    %sign3A_355 = arith.extui %sign3A_354 : i1 to i32
    %sign3A_356 = arith.subi %sign3A_352, %sign3A_355 : i32
    %ne3A_357 = arith.cmpi ne, %sign3A_349, %sign3A_356 : i32
    %rem3A_358 = arith.remsi %add3A_340, %jit3A_341 : i32
    %ne3A_359 = arith.constant 0 : i32
    %ne3A_360 = arith.cmpi ne, %rem3A_358, %ne3A_359 : i32
    %and3A_361 = arith.andi %ne3A_357, %ne3A_360 : i1
    %sub3A_362 = arith.constant 1 : i32
    %sub3A_363 = arith.subi %div3A_342, %sub3A_362 : i32
    %select_n3A_364 = arith.select %and3A_361, %sub3A_363, %div3A_342 : i32
    %jit3A_365 = arith.constant 32 : i32
    %eq3A_366 = arith.constant 0 : i32
    %eq3A_367 = arith.cmpi eq, %jit3A_365, %eq3A_366 : i32
    %jit3A_368 = arith.constant 1 : i32
    %select_n3A_369 = arith.select %eq3A_367, %jit3A_368, %jit3A_365 : i32
    %rem3A_370 = arith.remsi %add3A_340, %select_n3A_369 : i32
    %ne3A_371 = arith.constant 0 : i32
    %ne3A_372 = arith.cmpi ne, %rem3A_370, %ne3A_371 : i32
    %lt3A_373 = arith.constant 0 : i32
    %lt3A_374 = arith.cmpi slt, %rem3A_370, %lt3A_373 : i32
    %lt3A_375 = arith.constant 0 : i32
    %lt3A_376 = arith.cmpi slt, %select_n3A_369, %lt3A_375 : i32
    %ne3A_377 = arith.xori %lt3A_374, %lt3A_376 : i1
    %and3A_378 = arith.andi %ne3A_377, %ne3A_372 : i1
    %add3A_379 = arith.addi %rem3A_370, %select_n3A_369 : i32
    %select_n3A_380 = arith.select %and3A_378, %add3A_379, %rem3A_370 : i32
    %mul3A_381 = arith.constant 127 : i32
    %mul3A_382 = arith.muli %select_n3A_380, %mul3A_381 : i32
    %jit3A_383 = arith.constant 31 : i32
    %div3A_384 = arith.divsi %mul3A_382, %jit3A_383 : i32
    %sign3A_385 = arith.constant 0 : i32
    %sign3A_386 = arith.cmpi sgt, %mul3A_382, %sign3A_385 : i32
    %sign3A_387 = arith.extui %sign3A_386 : i1 to i32
    %sign3A_388 = arith.constant 0 : i32
    %sign3A_389 = arith.cmpi slt, %mul3A_382, %sign3A_388 : i32
    %sign3A_390 = arith.extui %sign3A_389 : i1 to i32
    %sign3A_391 = arith.subi %sign3A_387, %sign3A_390 : i32
    %sign3A_392 = arith.constant 0 : i32
    %sign3A_393 = arith.cmpi sgt, %jit3A_383, %sign3A_392 : i32
    %sign3A_394 = arith.extui %sign3A_393 : i1 to i32
    %sign3A_395 = arith.constant 0 : i32
    %sign3A_396 = arith.cmpi slt, %jit3A_383, %sign3A_395 : i32
    %sign3A_397 = arith.extui %sign3A_396 : i1 to i32
    %sign3A_398 = arith.subi %sign3A_394, %sign3A_397 : i32
    %ne3A_399 = arith.cmpi ne, %sign3A_391, %sign3A_398 : i32
    %rem3A_400 = arith.remsi %mul3A_382, %jit3A_383 : i32
    %ne3A_401 = arith.constant 0 : i32
    %ne3A_402 = arith.cmpi ne, %rem3A_400, %ne3A_401 : i32
    %and3A_403 = arith.andi %ne3A_399, %ne3A_402 : i1
    %sub3A_404 = arith.constant 1 : i32
    %sub3A_405 = arith.subi %div3A_384, %sub3A_404 : i32
    %select_n3A_406 = arith.select %and3A_403, %sub3A_405, %div3A_384 : i32
    %mul3A_407 = arith.constant 128 : i32
    %mul3A_408 = arith.muli %select_n3A_364, %mul3A_407 : i32
    %add3A_409 = arith.addi %mul3A_408, %select_n3A_406 : i32
    %mul3A_410 = arith.constant 256 : i32
    %mul3A_411 = arith.muli %add3A_409, %mul3A_410 : i32
    %add3A_412 = arith.constant 128 : i32
    %add3A_413 = arith.addi %mul3A_411, %add3A_412 : i32
    %mul3A_414 = arith.constant 256 : i32
    %mul3A_415 = arith.muli %add3A_340, %mul3A_414 : i32
    %add3A_416 = arith.constant 128 : i32
    %add3A_417 = arith.addi %mul3A_415, %add3A_416 : i32
    %dma_start3A_418 = arith.constant 0 : i32
    %dma_start3A_419 = tpu.memref_slice %arg2[%add3A_413, %dma_start3A_418] : memref<98304x256xf32, #tpu.memory_space<hbm>> -> memref<128x256xf32, #tpu.memory_space<hbm>>
    %dma_start3A_420 = arith.constant 0 : i32
    %dma_start3A_421 = tpu.memref_slice %arg2[%add3A_413, %dma_start3A_420] : memref<98304x256xf32, #tpu.memory_space<hbm>> -> memref<128x256xf32, #tpu.memory_space<hbm>>
    tpu.enqueue_dma source(%dma_start3A_421 : memref<128x256xf32, #tpu.memory_space<hbm>>) target(%arg4 : memref<128x256xf32, #tpu.memory_space<vmem>>) target_semaphore(%arg7 : memref<!tpu.dma_semaphore, #tpu.memory_space<semaphore_mem>>)
    %mul3A_422 = arith.constant 3 : i32
    %mul3A_423 = arith.muli %add3A, %mul3A_422 : i32
    %add3A_424 = arith.constant 0 : i32
    %add3A_425 = arith.addi %mul3A_423, %add3A_424 : i32
    %jit3A_426 = arith.constant 32 : i32
    %div3A_427 = arith.divsi %add3A_425, %jit3A_426 : i32
    %sign3A_428 = arith.constant 0 : i32
    %sign3A_429 = arith.cmpi sgt, %add3A_425, %sign3A_428 : i32
    %sign3A_430 = arith.extui %sign3A_429 : i1 to i32
    %sign3A_431 = arith.constant 0 : i32
    %sign3A_432 = arith.cmpi slt, %add3A_425, %sign3A_431 : i32
    %sign3A_433 = arith.extui %sign3A_432 : i1 to i32
    %sign3A_434 = arith.subi %sign3A_430, %sign3A_433 : i32
    %sign3A_435 = arith.constant 0 : i32
    %sign3A_436 = arith.cmpi sgt, %jit3A_426, %sign3A_435 : i32
    %sign3A_437 = arith.extui %sign3A_436 : i1 to i32
    %sign3A_438 = arith.constant 0 : i32
    %sign3A_439 = arith.cmpi slt, %jit3A_426, %sign3A_438 : i32
    %sign3A_440 = arith.extui %sign3A_439 : i1 to i32
    %sign3A_441 = arith.subi %sign3A_437, %sign3A_440 : i32
    %ne3A_442 = arith.cmpi ne, %sign3A_434, %sign3A_441 : i32
    %rem3A_443 = arith.remsi %add3A_425, %jit3A_426 : i32
    %ne3A_444 = arith.constant 0 : i32
    %ne3A_445 = arith.cmpi ne, %rem3A_443, %ne3A_444 : i32
    %and3A_446 = arith.andi %ne3A_442, %ne3A_445 : i1
    %sub3A_447 = arith.constant 1 : i32
    %sub3A_448 = arith.subi %div3A_427, %sub3A_447 : i32
    %select_n3A_449 = arith.select %and3A_446, %sub3A_448, %div3A_427 : i32
    %jit3A_450 = arith.constant 32 : i32
    %eq3A_451 = arith.constant 0 : i32
    %eq3A_452 = arith.cmpi eq, %jit3A_450, %eq3A_451 : i32
    %jit3A_453 = arith.constant 1 : i32
    %select_n3A_454 = arith.select %eq3A_452, %jit3A_453, %jit3A_450 : i32
    %rem3A_455 = arith.remsi %add3A_425, %select_n3A_454 : i32
    %ne3A_456 = arith.constant 0 : i32
    %ne3A_457 = arith.cmpi ne, %rem3A_455, %ne3A_456 : i32
    %lt3A_458 = arith.constant 0 : i32
    %lt3A_459 = arith.cmpi slt, %rem3A_455, %lt3A_458 : i32
    %lt3A_460 = arith.constant 0 : i32
    %lt3A_461 = arith.cmpi slt, %select_n3A_454, %lt3A_460 : i32
    %ne3A_462 = arith.xori %lt3A_459, %lt3A_461 : i1
    %and3A_463 = arith.andi %ne3A_462, %ne3A_457 : i1
    %add3A_464 = arith.addi %rem3A_455, %select_n3A_454 : i32
    %select_n3A_465 = arith.select %and3A_463, %add3A_464, %rem3A_455 : i32
    %mul3A_466 = arith.constant 127 : i32
    %mul3A_467 = arith.muli %select_n3A_465, %mul3A_466 : i32
    %jit3A_468 = arith.constant 31 : i32
    %div3A_469 = arith.divsi %mul3A_467, %jit3A_468 : i32
    %sign3A_470 = arith.constant 0 : i32
    %sign3A_471 = arith.cmpi sgt, %mul3A_467, %sign3A_470 : i32
    %sign3A_472 = arith.extui %sign3A_471 : i1 to i32
    %sign3A_473 = arith.constant 0 : i32
    %sign3A_474 = arith.cmpi slt, %mul3A_467, %sign3A_473 : i32
    %sign3A_475 = arith.extui %sign3A_474 : i1 to i32
    %sign3A_476 = arith.subi %sign3A_472, %sign3A_475 : i32
    %sign3A_477 = arith.constant 0 : i32
    %sign3A_478 = arith.cmpi sgt, %jit3A_468, %sign3A_477 : i32
    %sign3A_479 = arith.extui %sign3A_478 : i1 to i32
    %sign3A_480 = arith.constant 0 : i32
    %sign3A_481 = arith.cmpi slt, %jit3A_468, %sign3A_480 : i32
    %sign3A_482 = arith.extui %sign3A_481 : i1 to i32
    %sign3A_483 = arith.subi %sign3A_479, %sign3A_482 : i32
    %ne3A_484 = arith.cmpi ne, %sign3A_476, %sign3A_483 : i32
    %rem3A_485 = arith.remsi %mul3A_467, %jit3A_468 : i32
    %ne3A_486 = arith.constant 0 : i32
    %ne3A_487 = arith.cmpi ne, %rem3A_485, %ne3A_486 : i32
    %and3A_488 = arith.andi %ne3A_484, %ne3A_487 : i1
    %sub3A_489 = arith.constant 1 : i32
    %sub3A_490 = arith.subi %div3A_469, %sub3A_489 : i32
    %select_n3A_491 = arith.select %and3A_488, %sub3A_490, %div3A_469 : i32
    %mul3A_492 = arith.constant 128 : i32
    %mul3A_493 = arith.muli %select_n3A_449, %mul3A_492 : i32
    %add3A_494 = arith.addi %mul3A_493, %select_n3A_491 : i32
    %mul3A_495 = arith.constant 256 : i32
    %mul3A_496 = arith.muli %add3A_494, %mul3A_495 : i32
    %add3A_497 = arith.constant 128 : i32
    %add3A_498 = arith.addi %mul3A_496, %add3A_497 : i32
    %mul3A_499 = arith.constant 256 : i32
    %mul3A_500 = arith.muli %add3A_425, %mul3A_499 : i32
    %add3A_501 = arith.constant 128 : i32
    %add3A_502 = arith.addi %mul3A_500, %add3A_501 : i32
    %dma_wait3A_503 = arith.constant 0 : i32
    %dma_wait3A_504 = tpu.memref_slice %arg2[%add3A_498, %dma_wait3A_503] : memref<98304x256xf32, #tpu.memory_space<hbm>> -> memref<128x256xf32, #tpu.memory_space<hbm>>
    %dma_wait3A_505 = arith.constant 0 : i32
    %dma_wait3A_506 = tpu.memref_slice %arg2[%add3A_498, %dma_wait3A_505] : memref<98304x256xf32, #tpu.memory_space<hbm>> -> memref<128x256xf32, #tpu.memory_space<hbm>>
    tpu.wait_dma2 semaphore(%arg8 : memref<!tpu.dma_semaphore, #tpu.memory_space<semaphore_mem>>) src(%dma_wait3A_506 : memref<128x256xf32, #tpu.memory_space<hbm>>) dst(%arg5 : memref<128x256xf32, #tpu.memory_space<vmem>>)
    %dma_start3A_507 = arith.constant 0 : i32
    %dma_start3A_508 = tpu.memref_slice %arg3[%add3A_502, %dma_start3A_507] : memref<24576x256xf32, #tpu.memory_space<hbm>> -> memref<128x256xf32, #tpu.memory_space<hbm>>
    %dma_start3A_509 = arith.constant 0 : i32
    %dma_start3A_510 = tpu.memref_slice %arg3[%add3A_502, %dma_start3A_509] : memref<24576x256xf32, #tpu.memory_space<hbm>> -> memref<128x256xf32, #tpu.memory_space<hbm>>
    tpu.enqueue_dma source(%arg5 : memref<128x256xf32, #tpu.memory_space<vmem>>) target(%dma_start3A_510 : memref<128x256xf32, #tpu.memory_space<hbm>>) target_semaphore(%arg11 : memref<!tpu.dma_semaphore, #tpu.memory_space<semaphore_mem>>)
    %dma_wait3A_511 = arith.constant 0 : i32
    %dma_wait3A_512 = tpu.memref_slice %arg3[%add3A_502, %dma_wait3A_511] : memref<24576x256xf32, #tpu.memory_space<hbm>> -> memref<128x256xf32, #tpu.memory_space<hbm>>
    %dma_wait3A_513 = arith.constant 0 : i32
    %dma_wait3A_514 = tpu.memref_slice %arg3[%add3A_502, %dma_wait3A_513] : memref<24576x256xf32, #tpu.memory_space<hbm>> -> memref<128x256xf32, #tpu.memory_space<hbm>>
    tpu.wait_dma2 semaphore(%arg11 : memref<!tpu.dma_semaphore, #tpu.memory_space<semaphore_mem>>) src(%arg5 : memref<128x256xf32, #tpu.memory_space<vmem>>) dst(%dma_wait3A_514 : memref<128x256xf32, #tpu.memory_space<hbm>>)
    %mul3A_515 = arith.constant 3 : i32
    %mul3A_516 = arith.muli %add3A, %mul3A_515 : i32
    %add3A_517 = arith.constant 2 : i32
    %add3A_518 = arith.addi %mul3A_516, %add3A_517 : i32
    %jit3A_519 = arith.constant 32 : i32
    %div3A_520 = arith.divsi %add3A_518, %jit3A_519 : i32
    %sign3A_521 = arith.constant 0 : i32
    %sign3A_522 = arith.cmpi sgt, %add3A_518, %sign3A_521 : i32
    %sign3A_523 = arith.extui %sign3A_522 : i1 to i32
    %sign3A_524 = arith.constant 0 : i32
    %sign3A_525 = arith.cmpi slt, %add3A_518, %sign3A_524 : i32
    %sign3A_526 = arith.extui %sign3A_525 : i1 to i32
    %sign3A_527 = arith.subi %sign3A_523, %sign3A_526 : i32
    %sign3A_528 = arith.constant 0 : i32
    %sign3A_529 = arith.cmpi sgt, %jit3A_519, %sign3A_528 : i32
    %sign3A_530 = arith.extui %sign3A_529 : i1 to i32
    %sign3A_531 = arith.constant 0 : i32
    %sign3A_532 = arith.cmpi slt, %jit3A_519, %sign3A_531 : i32
    %sign3A_533 = arith.extui %sign3A_532 : i1 to i32
    %sign3A_534 = arith.subi %sign3A_530, %sign3A_533 : i32
    %ne3A_535 = arith.cmpi ne, %sign3A_527, %sign3A_534 : i32
    %rem3A_536 = arith.remsi %add3A_518, %jit3A_519 : i32
    %ne3A_537 = arith.constant 0 : i32
    %ne3A_538 = arith.cmpi ne, %rem3A_536, %ne3A_537 : i32
    %and3A_539 = arith.andi %ne3A_535, %ne3A_538 : i1
    %sub3A_540 = arith.constant 1 : i32
    %sub3A_541 = arith.subi %div3A_520, %sub3A_540 : i32
    %select_n3A_542 = arith.select %and3A_539, %sub3A_541, %div3A_520 : i32
    %jit3A_543 = arith.constant 32 : i32
    %eq3A_544 = arith.constant 0 : i32
    %eq3A_545 = arith.cmpi eq, %jit3A_543, %eq3A_544 : i32
    %jit3A_546 = arith.constant 1 : i32
    %select_n3A_547 = arith.select %eq3A_545, %jit3A_546, %jit3A_543 : i32
    %rem3A_548 = arith.remsi %add3A_518, %select_n3A_547 : i32
    %ne3A_549 = arith.constant 0 : i32
    %ne3A_550 = arith.cmpi ne, %rem3A_548, %ne3A_549 : i32
    %lt3A_551 = arith.constant 0 : i32
    %lt3A_552 = arith.cmpi slt, %rem3A_548, %lt3A_551 : i32
    %lt3A_553 = arith.constant 0 : i32
    %lt3A_554 = arith.cmpi slt, %select_n3A_547, %lt3A_553 : i32
    %ne3A_555 = arith.xori %lt3A_552, %lt3A_554 : i1
    %and3A_556 = arith.andi %ne3A_555, %ne3A_550 : i1
    %add3A_557 = arith.addi %rem3A_548, %select_n3A_547 : i32
    %select_n3A_558 = arith.select %and3A_556, %add3A_557, %rem3A_548 : i32
    %mul3A_559 = arith.constant 127 : i32
    %mul3A_560 = arith.muli %select_n3A_558, %mul3A_559 : i32
    %jit3A_561 = arith.constant 31 : i32
    %div3A_562 = arith.divsi %mul3A_560, %jit3A_561 : i32
    %sign3A_563 = arith.constant 0 : i32
    %sign3A_564 = arith.cmpi sgt, %mul3A_560, %sign3A_563 : i32
    %sign3A_565 = arith.extui %sign3A_564 : i1 to i32
    %sign3A_566 = arith.constant 0 : i32
    %sign3A_567 = arith.cmpi slt, %mul3A_560, %sign3A_566 : i32
    %sign3A_568 = arith.extui %sign3A_567 : i1 to i32
    %sign3A_569 = arith.subi %sign3A_565, %sign3A_568 : i32
    %sign3A_570 = arith.constant 0 : i32
    %sign3A_571 = arith.cmpi sgt, %jit3A_561, %sign3A_570 : i32
    %sign3A_572 = arith.extui %sign3A_571 : i1 to i32
    %sign3A_573 = arith.constant 0 : i32
    %sign3A_574 = arith.cmpi slt, %jit3A_561, %sign3A_573 : i32
    %sign3A_575 = arith.extui %sign3A_574 : i1 to i32
    %sign3A_576 = arith.subi %sign3A_572, %sign3A_575 : i32
    %ne3A_577 = arith.cmpi ne, %sign3A_569, %sign3A_576 : i32
    %rem3A_578 = arith.remsi %mul3A_560, %jit3A_561 : i32
    %ne3A_579 = arith.constant 0 : i32
    %ne3A_580 = arith.cmpi ne, %rem3A_578, %ne3A_579 : i32
    %and3A_581 = arith.andi %ne3A_577, %ne3A_580 : i1
    %sub3A_582 = arith.constant 1 : i32
    %sub3A_583 = arith.subi %div3A_562, %sub3A_582 : i32
    %select_n3A_584 = arith.select %and3A_581, %sub3A_583, %div3A_562 : i32
    %mul3A_585 = arith.constant 128 : i32
    %mul3A_586 = arith.muli %select_n3A_542, %mul3A_585 : i32
    %add3A_587 = arith.addi %mul3A_586, %select_n3A_584 : i32
    %mul3A_588 = arith.constant 256 : i32
    %mul3A_589 = arith.muli %add3A_587, %mul3A_588 : i32
    %add3A_590 = arith.constant 0 : i32
    %add3A_591 = arith.addi %mul3A_589, %add3A_590 : i32
    %mul3A_592 = arith.constant 256 : i32
    %mul3A_593 = arith.muli %add3A_518, %mul3A_592 : i32
    %add3A_594 = arith.constant 0 : i32
    %add3A_595 = arith.addi %mul3A_593, %add3A_594 : i32
    %dma_start3A_596 = arith.constant 0 : i32
    %dma_start3A_597 = tpu.memref_slice %arg2[%add3A_591, %dma_start3A_596] : memref<98304x256xf32, #tpu.memory_space<hbm>> -> memref<128x256xf32, #tpu.memory_space<hbm>>
    %dma_start3A_598 = arith.constant 0 : i32
    %dma_start3A_599 = tpu.memref_slice %arg2[%add3A_591, %dma_start3A_598] : memref<98304x256xf32, #tpu.memory_space<hbm>> -> memref<128x256xf32, #tpu.memory_space<hbm>>
    tpu.enqueue_dma source(%dma_start3A_599 : memref<128x256xf32, #tpu.memory_space<hbm>>) target(%arg5 : memref<128x256xf32, #tpu.memory_space<vmem>>) target_semaphore(%arg8 : memref<!tpu.dma_semaphore, #tpu.memory_space<semaphore_mem>>)
    %mul3A_600 = arith.constant 3 : i32
    %mul3A_601 = arith.muli %add3A, %mul3A_600 : i32
    %add3A_602 = arith.constant 1 : i32
    %add3A_603 = arith.addi %mul3A_601, %add3A_602 : i32
    %jit3A_604 = arith.constant 32 : i32
    %div3A_605 = arith.divsi %add3A_603, %jit3A_604 : i32
    %sign3A_606 = arith.constant 0 : i32
    %sign3A_607 = arith.cmpi sgt, %add3A_603, %sign3A_606 : i32
    %sign3A_608 = arith.extui %sign3A_607 : i1 to i32
    %sign3A_609 = arith.constant 0 : i32
    %sign3A_610 = arith.cmpi slt, %add3A_603, %sign3A_609 : i32
    %sign3A_611 = arith.extui %sign3A_610 : i1 to i32
    %sign3A_612 = arith.subi %sign3A_608, %sign3A_611 : i32
    %sign3A_613 = arith.constant 0 : i32
    %sign3A_614 = arith.cmpi sgt, %jit3A_604, %sign3A_613 : i32
    %sign3A_615 = arith.extui %sign3A_614 : i1 to i32
    %sign3A_616 = arith.constant 0 : i32
    %sign3A_617 = arith.cmpi slt, %jit3A_604, %sign3A_616 : i32
    %sign3A_618 = arith.extui %sign3A_617 : i1 to i32
    %sign3A_619 = arith.subi %sign3A_615, %sign3A_618 : i32
    %ne3A_620 = arith.cmpi ne, %sign3A_612, %sign3A_619 : i32
    %rem3A_621 = arith.remsi %add3A_603, %jit3A_604 : i32
    %ne3A_622 = arith.constant 0 : i32
    %ne3A_623 = arith.cmpi ne, %rem3A_621, %ne3A_622 : i32
    %and3A_624 = arith.andi %ne3A_620, %ne3A_623 : i1
    %sub3A_625 = arith.constant 1 : i32
    %sub3A_626 = arith.subi %div3A_605, %sub3A_625 : i32
    %select_n3A_627 = arith.select %and3A_624, %sub3A_626, %div3A_605 : i32
    %jit3A_628 = arith.constant 32 : i32
    %eq3A_629 = arith.constant 0 : i32
    %eq3A_630 = arith.cmpi eq, %jit3A_628, %eq3A_629 : i32
    %jit3A_631 = arith.constant 1 : i32
    %select_n3A_632 = arith.select %eq3A_630, %jit3A_631, %jit3A_628 : i32
    %rem3A_633 = arith.remsi %add3A_603, %select_n3A_632 : i32
    %ne3A_634 = arith.constant 0 : i32
    %ne3A_635 = arith.cmpi ne, %rem3A_633, %ne3A_634 : i32
    %lt3A_636 = arith.constant 0 : i32
    %lt3A_637 = arith.cmpi slt, %rem3A_633, %lt3A_636 : i32
    %lt3A_638 = arith.constant 0 : i32
    %lt3A_639 = arith.cmpi slt, %select_n3A_632, %lt3A_638 : i32
    %ne3A_640 = arith.xori %lt3A_637, %lt3A_639 : i1
    %and3A_641 = arith.andi %ne3A_640, %ne3A_635 : i1
    %add3A_642 = arith.addi %rem3A_633, %select_n3A_632 : i32
    %select_n3A_643 = arith.select %and3A_641, %add3A_642, %rem3A_633 : i32
    %mul3A_644 = arith.constant 127 : i32
    %mul3A_645 = arith.muli %select_n3A_643, %mul3A_644 : i32
    %jit3A_646 = arith.constant 31 : i32
    %div3A_647 = arith.divsi %mul3A_645, %jit3A_646 : i32
    %sign3A_648 = arith.constant 0 : i32
    %sign3A_649 = arith.cmpi sgt, %mul3A_645, %sign3A_648 : i32
    %sign3A_650 = arith.extui %sign3A_649 : i1 to i32
    %sign3A_651 = arith.constant 0 : i32
    %sign3A_652 = arith.cmpi slt, %mul3A_645, %sign3A_651 : i32
    %sign3A_653 = arith.extui %sign3A_652 : i1 to i32
    %sign3A_654 = arith.subi %sign3A_650, %sign3A_653 : i32
    %sign3A_655 = arith.constant 0 : i32
    %sign3A_656 = arith.cmpi sgt, %jit3A_646, %sign3A_655 : i32
    %sign3A_657 = arith.extui %sign3A_656 : i1 to i32
    %sign3A_658 = arith.constant 0 : i32
    %sign3A_659 = arith.cmpi slt, %jit3A_646, %sign3A_658 : i32
    %sign3A_660 = arith.extui %sign3A_659 : i1 to i32
    %sign3A_661 = arith.subi %sign3A_657, %sign3A_660 : i32
    %ne3A_662 = arith.cmpi ne, %sign3A_654, %sign3A_661 : i32
    %rem3A_663 = arith.remsi %mul3A_645, %jit3A_646 : i32
    %ne3A_664 = arith.constant 0 : i32
    %ne3A_665 = arith.cmpi ne, %rem3A_663, %ne3A_664 : i32
    %and3A_666 = arith.andi %ne3A_662, %ne3A_665 : i1
    %sub3A_667 = arith.constant 1 : i32
    %sub3A_668 = arith.subi %div3A_647, %sub3A_667 : i32
    %select_n3A_669 = arith.select %and3A_666, %sub3A_668, %div3A_647 : i32
    %mul3A_670 = arith.constant 128 : i32
    %mul3A_671 = arith.muli %select_n3A_627, %mul3A_670 : i32
    %add3A_672 = arith.addi %mul3A_671, %select_n3A_669 : i32
    %mul3A_673 = arith.constant 256 : i32
    %mul3A_674 = arith.muli %add3A_672, %mul3A_673 : i32
    %add3A_675 = arith.constant 0 : i32
    %add3A_676 = arith.addi %mul3A_674, %add3A_675 : i32
    %mul3A_677 = arith.constant 256 : i32
    %mul3A_678 = arith.muli %add3A_603, %mul3A_677 : i32
    %add3A_679 = arith.constant 0 : i32
    %add3A_680 = arith.addi %mul3A_678, %add3A_679 : i32
    %dma_wait3A_681 = arith.constant 0 : i32
    %dma_wait3A_682 = tpu.memref_slice %arg2[%add3A_676, %dma_wait3A_681] : memref<98304x256xf32, #tpu.memory_space<hbm>> -> memref<128x256xf32, #tpu.memory_space<hbm>>
    %dma_wait3A_683 = arith.constant 0 : i32
    %dma_wait3A_684 = tpu.memref_slice %arg2[%add3A_676, %dma_wait3A_683] : memref<98304x256xf32, #tpu.memory_space<hbm>> -> memref<128x256xf32, #tpu.memory_space<hbm>>
    tpu.wait_dma2 semaphore(%arg9 : memref<!tpu.dma_semaphore, #tpu.memory_space<semaphore_mem>>) src(%dma_wait3A_684 : memref<128x256xf32, #tpu.memory_space<hbm>>) dst(%arg6 : memref<128x256xf32, #tpu.memory_space<vmem>>)
    %dma_start3A_685 = arith.constant 0 : i32
    %dma_start3A_686 = tpu.memref_slice %arg3[%add3A_680, %dma_start3A_685] : memref<24576x256xf32, #tpu.memory_space<hbm>> -> memref<128x256xf32, #tpu.memory_space<hbm>>
    %dma_start3A_687 = arith.constant 0 : i32
    %dma_start3A_688 = tpu.memref_slice %arg3[%add3A_680, %dma_start3A_687] : memref<24576x256xf32, #tpu.memory_space<hbm>> -> memref<128x256xf32, #tpu.memory_space<hbm>>
    tpu.enqueue_dma source(%arg6 : memref<128x256xf32, #tpu.memory_space<vmem>>) target(%dma_start3A_688 : memref<128x256xf32, #tpu.memory_space<hbm>>) target_semaphore(%arg12 : memref<!tpu.dma_semaphore, #tpu.memory_space<semaphore_mem>>)
    %dma_wait3A_689 = arith.constant 0 : i32
    %dma_wait3A_690 = tpu.memref_slice %arg3[%add3A_680, %dma_wait3A_689] : memref<24576x256xf32, #tpu.memory_space<hbm>> -> memref<128x256xf32, #tpu.memory_space<hbm>>
    %dma_wait3A_691 = arith.constant 0 : i32
    %dma_wait3A_692 = tpu.memref_slice %arg3[%add3A_680, %dma_wait3A_691] : memref<24576x256xf32, #tpu.memory_space<hbm>> -> memref<128x256xf32, #tpu.memory_space<hbm>>
    tpu.wait_dma2 semaphore(%arg12 : memref<!tpu.dma_semaphore, #tpu.memory_space<semaphore_mem>>) src(%arg6 : memref<128x256xf32, #tpu.memory_space<vmem>>) dst(%dma_wait3A_692 : memref<128x256xf32, #tpu.memory_space<hbm>>)
    %mul3A_693 = arith.constant 3 : i32
    %mul3A_694 = arith.muli %add3A, %mul3A_693 : i32
    %add3A_695 = arith.constant 2 : i32
    %add3A_696 = arith.addi %mul3A_694, %add3A_695 : i32
    %jit3A_697 = arith.constant 32 : i32
    %div3A_698 = arith.divsi %add3A_696, %jit3A_697 : i32
    %sign3A_699 = arith.constant 0 : i32
    %sign3A_700 = arith.cmpi sgt, %add3A_696, %sign3A_699 : i32
    %sign3A_701 = arith.extui %sign3A_700 : i1 to i32
    %sign3A_702 = arith.constant 0 : i32
    %sign3A_703 = arith.cmpi slt, %add3A_696, %sign3A_702 : i32
    %sign3A_704 = arith.extui %sign3A_703 : i1 to i32
    %sign3A_705 = arith.subi %sign3A_701, %sign3A_704 : i32
    %sign3A_706 = arith.constant 0 : i32
    %sign3A_707 = arith.cmpi sgt, %jit3A_697, %sign3A_706 : i32
    %sign3A_708 = arith.extui %sign3A_707 : i1 to i32
    %sign3A_709 = arith.constant 0 : i32
    %sign3A_710 = arith.cmpi slt, %jit3A_697, %sign3A_709 : i32
    %sign3A_711 = arith.extui %sign3A_710 : i1 to i32
    %sign3A_712 = arith.subi %sign3A_708, %sign3A_711 : i32
    %ne3A_713 = arith.cmpi ne, %sign3A_705, %sign3A_712 : i32
    %rem3A_714 = arith.remsi %add3A_696, %jit3A_697 : i32
    %ne3A_715 = arith.constant 0 : i32
    %ne3A_716 = arith.cmpi ne, %rem3A_714, %ne3A_715 : i32
    %and3A_717 = arith.andi %ne3A_713, %ne3A_716 : i1
    %sub3A_718 = arith.constant 1 : i32
    %sub3A_719 = arith.subi %div3A_698, %sub3A_718 : i32
    %select_n3A_720 = arith.select %and3A_717, %sub3A_719, %div3A_698 : i32
    %jit3A_721 = arith.constant 32 : i32
    %eq3A_722 = arith.constant 0 : i32
    %eq3A_723 = arith.cmpi eq, %jit3A_721, %eq3A_722 : i32
    %jit3A_724 = arith.constant 1 : i32
    %select_n3A_725 = arith.select %eq3A_723, %jit3A_724, %jit3A_721 : i32
    %rem3A_726 = arith.remsi %add3A_696, %select_n3A_725 : i32
    %ne3A_727 = arith.constant 0 : i32
    %ne3A_728 = arith.cmpi ne, %rem3A_726, %ne3A_727 : i32
    %lt3A_729 = arith.constant 0 : i32
    %lt3A_730 = arith.cmpi slt, %rem3A_726, %lt3A_729 : i32
    %lt3A_731 = arith.constant 0 : i32
    %lt3A_732 = arith.cmpi slt, %select_n3A_725, %lt3A_731 : i32
    %ne3A_733 = arith.xori %lt3A_730, %lt3A_732 : i1
    %and3A_734 = arith.andi %ne3A_733, %ne3A_728 : i1
    %add3A_735 = arith.addi %rem3A_726, %select_n3A_725 : i32
    %select_n3A_736 = arith.select %and3A_734, %add3A_735, %rem3A_726 : i32
    %mul3A_737 = arith.constant 127 : i32
    %mul3A_738 = arith.muli %select_n3A_736, %mul3A_737 : i32
    %jit3A_739 = arith.constant 31 : i32
    %div3A_740 = arith.divsi %mul3A_738, %jit3A_739 : i32
    %sign3A_741 = arith.constant 0 : i32
    %sign3A_742 = arith.cmpi sgt, %mul3A_738, %sign3A_741 : i32
    %sign3A_743 = arith.extui %sign3A_742 : i1 to i32
    %sign3A_744 = arith.constant 0 : i32
    %sign3A_745 = arith.cmpi slt, %mul3A_738, %sign3A_744 : i32
    %sign3A_746 = arith.extui %sign3A_745 : i1 to i32
    %sign3A_747 = arith.subi %sign3A_743, %sign3A_746 : i32
    %sign3A_748 = arith.constant 0 : i32
    %sign3A_749 = arith.cmpi sgt, %jit3A_739, %sign3A_748 : i32
    %sign3A_750 = arith.extui %sign3A_749 : i1 to i32
    %sign3A_751 = arith.constant 0 : i32
    %sign3A_752 = arith.cmpi slt, %jit3A_739, %sign3A_751 : i32
    %sign3A_753 = arith.extui %sign3A_752 : i1 to i32
    %sign3A_754 = arith.subi %sign3A_750, %sign3A_753 : i32
    %ne3A_755 = arith.cmpi ne, %sign3A_747, %sign3A_754 : i32
    %rem3A_756 = arith.remsi %mul3A_738, %jit3A_739 : i32
    %ne3A_757 = arith.constant 0 : i32
    %ne3A_758 = arith.cmpi ne, %rem3A_756, %ne3A_757 : i32
    %and3A_759 = arith.andi %ne3A_755, %ne3A_758 : i1
    %sub3A_760 = arith.constant 1 : i32
    %sub3A_761 = arith.subi %div3A_740, %sub3A_760 : i32
    %select_n3A_762 = arith.select %and3A_759, %sub3A_761, %div3A_740 : i32
    %mul3A_763 = arith.constant 128 : i32
    %mul3A_764 = arith.muli %select_n3A_720, %mul3A_763 : i32
    %add3A_765 = arith.addi %mul3A_764, %select_n3A_762 : i32
    %mul3A_766 = arith.constant 256 : i32
    %mul3A_767 = arith.muli %add3A_765, %mul3A_766 : i32
    %add3A_768 = arith.constant 128 : i32
    %add3A_769 = arith.addi %mul3A_767, %add3A_768 : i32
    %mul3A_770 = arith.constant 256 : i32
    %mul3A_771 = arith.muli %add3A_696, %mul3A_770 : i32
    %add3A_772 = arith.constant 128 : i32
    %add3A_773 = arith.addi %mul3A_771, %add3A_772 : i32
    %dma_start3A_774 = arith.constant 0 : i32
    %dma_start3A_775 = tpu.memref_slice %arg2[%add3A_769, %dma_start3A_774] : memref<98304x256xf32, #tpu.memory_space<hbm>> -> memref<128x256xf32, #tpu.memory_space<hbm>>
    %dma_start3A_776 = arith.constant 0 : i32
    %dma_start3A_777 = tpu.memref_slice %arg2[%add3A_769, %dma_start3A_776] : memref<98304x256xf32, #tpu.memory_space<hbm>> -> memref<128x256xf32, #tpu.memory_space<hbm>>
    tpu.enqueue_dma source(%dma_start3A_777 : memref<128x256xf32, #tpu.memory_space<hbm>>) target(%arg6 : memref<128x256xf32, #tpu.memory_space<vmem>>) target_semaphore(%arg9 : memref<!tpu.dma_semaphore, #tpu.memory_space<semaphore_mem>>)
    %mul3A_778 = arith.constant 3 : i32
    %mul3A_779 = arith.muli %add3A, %mul3A_778 : i32
    %add3A_780 = arith.constant 1 : i32
    %add3A_781 = arith.addi %mul3A_779, %add3A_780 : i32
    %jit3A_782 = arith.constant 32 : i32
    %div3A_783 = arith.divsi %add3A_781, %jit3A_782 : i32
    %sign3A_784 = arith.constant 0 : i32
    %sign3A_785 = arith.cmpi sgt, %add3A_781, %sign3A_784 : i32
    %sign3A_786 = arith.extui %sign3A_785 : i1 to i32
    %sign3A_787 = arith.constant 0 : i32
    %sign3A_788 = arith.cmpi slt, %add3A_781, %sign3A_787 : i32
    %sign3A_789 = arith.extui %sign3A_788 : i1 to i32
    %sign3A_790 = arith.subi %sign3A_786, %sign3A_789 : i32
    %sign3A_791 = arith.constant 0 : i32
    %sign3A_792 = arith.cmpi sgt, %jit3A_782, %sign3A_791 : i32
    %sign3A_793 = arith.extui %sign3A_792 : i1 to i32
    %sign3A_794 = arith.constant 0 : i32
    %sign3A_795 = arith.cmpi slt, %jit3A_782, %sign3A_794 : i32
    %sign3A_796 = arith.extui %sign3A_795 : i1 to i32
    %sign3A_797 = arith.subi %sign3A_793, %sign3A_796 : i32
    %ne3A_798 = arith.cmpi ne, %sign3A_790, %sign3A_797 : i32
    %rem3A_799 = arith.remsi %add3A_781, %jit3A_782 : i32
    %ne3A_800 = arith.constant 0 : i32
    %ne3A_801 = arith.cmpi ne, %rem3A_799, %ne3A_800 : i32
    %and3A_802 = arith.andi %ne3A_798, %ne3A_801 : i1
    %sub3A_803 = arith.constant 1 : i32
    %sub3A_804 = arith.subi %div3A_783, %sub3A_803 : i32
    %select_n3A_805 = arith.select %and3A_802, %sub3A_804, %div3A_783 : i32
    %jit3A_806 = arith.constant 32 : i32
    %eq3A_807 = arith.constant 0 : i32
    %eq3A_808 = arith.cmpi eq, %jit3A_806, %eq3A_807 : i32
    %jit3A_809 = arith.constant 1 : i32
    %select_n3A_810 = arith.select %eq3A_808, %jit3A_809, %jit3A_806 : i32
    %rem3A_811 = arith.remsi %add3A_781, %select_n3A_810 : i32
    %ne3A_812 = arith.constant 0 : i32
    %ne3A_813 = arith.cmpi ne, %rem3A_811, %ne3A_812 : i32
    %lt3A_814 = arith.constant 0 : i32
    %lt3A_815 = arith.cmpi slt, %rem3A_811, %lt3A_814 : i32
    %lt3A_816 = arith.constant 0 : i32
    %lt3A_817 = arith.cmpi slt, %select_n3A_810, %lt3A_816 : i32
    %ne3A_818 = arith.xori %lt3A_815, %lt3A_817 : i1
    %and3A_819 = arith.andi %ne3A_818, %ne3A_813 : i1
    %add3A_820 = arith.addi %rem3A_811, %select_n3A_810 : i32
    %select_n3A_821 = arith.select %and3A_819, %add3A_820, %rem3A_811 : i32
    %mul3A_822 = arith.constant 127 : i32
    %mul3A_823 = arith.muli %select_n3A_821, %mul3A_822 : i32
    %jit3A_824 = arith.constant 31 : i32
    %div3A_825 = arith.divsi %mul3A_823, %jit3A_824 : i32
    %sign3A_826 = arith.constant 0 : i32
    %sign3A_827 = arith.cmpi sgt, %mul3A_823, %sign3A_826 : i32
    %sign3A_828 = arith.extui %sign3A_827 : i1 to i32
    %sign3A_829 = arith.constant 0 : i32
    %sign3A_830 = arith.cmpi slt, %mul3A_823, %sign3A_829 : i32
    %sign3A_831 = arith.extui %sign3A_830 : i1 to i32
    %sign3A_832 = arith.subi %sign3A_828, %sign3A_831 : i32
    %sign3A_833 = arith.constant 0 : i32
    %sign3A_834 = arith.cmpi sgt, %jit3A_824, %sign3A_833 : i32
    %sign3A_835 = arith.extui %sign3A_834 : i1 to i32
    %sign3A_836 = arith.constant 0 : i32
    %sign3A_837 = arith.cmpi slt, %jit3A_824, %sign3A_836 : i32
    %sign3A_838 = arith.extui %sign3A_837 : i1 to i32
    %sign3A_839 = arith.subi %sign3A_835, %sign3A_838 : i32
    %ne3A_840 = arith.cmpi ne, %sign3A_832, %sign3A_839 : i32
    %rem3A_841 = arith.remsi %mul3A_823, %jit3A_824 : i32
    %ne3A_842 = arith.constant 0 : i32
    %ne3A_843 = arith.cmpi ne, %rem3A_841, %ne3A_842 : i32
    %and3A_844 = arith.andi %ne3A_840, %ne3A_843 : i1
    %sub3A_845 = arith.constant 1 : i32
    %sub3A_846 = arith.subi %div3A_825, %sub3A_845 : i32
    %select_n3A_847 = arith.select %and3A_844, %sub3A_846, %div3A_825 : i32
    %mul3A_848 = arith.constant 128 : i32
    %mul3A_849 = arith.muli %select_n3A_805, %mul3A_848 : i32
    %add3A_850 = arith.addi %mul3A_849, %select_n3A_847 : i32
    %mul3A_851 = arith.constant 256 : i32
    %mul3A_852 = arith.muli %add3A_850, %mul3A_851 : i32
    %add3A_853 = arith.constant 128 : i32
    %add3A_854 = arith.addi %mul3A_852, %add3A_853 : i32
    %mul3A_855 = arith.constant 256 : i32
    %mul3A_856 = arith.muli %add3A_781, %mul3A_855 : i32
    %add3A_857 = arith.constant 128 : i32
    %add3A_858 = arith.addi %mul3A_856, %add3A_857 : i32
    %dma_wait3A_859 = arith.constant 0 : i32
    %dma_wait3A_860 = tpu.memref_slice %arg2[%add3A_854, %dma_wait3A_859] : memref<98304x256xf32, #tpu.memory_space<hbm>> -> memref<128x256xf32, #tpu.memory_space<hbm>>
    %dma_wait3A_861 = arith.constant 0 : i32
    %dma_wait3A_862 = tpu.memref_slice %arg2[%add3A_854, %dma_wait3A_861] : memref<98304x256xf32, #tpu.memory_space<hbm>> -> memref<128x256xf32, #tpu.memory_space<hbm>>
    tpu.wait_dma2 semaphore(%arg7 : memref<!tpu.dma_semaphore, #tpu.memory_space<semaphore_mem>>) src(%dma_wait3A_862 : memref<128x256xf32, #tpu.memory_space<hbm>>) dst(%arg4 : memref<128x256xf32, #tpu.memory_space<vmem>>)
    %dma_start3A_863 = arith.constant 0 : i32
    %dma_start3A_864 = tpu.memref_slice %arg3[%add3A_858, %dma_start3A_863] : memref<24576x256xf32, #tpu.memory_space<hbm>> -> memref<128x256xf32, #tpu.memory_space<hbm>>
    %dma_start3A_865 = arith.constant 0 : i32
    %dma_start3A_866 = tpu.memref_slice %arg3[%add3A_858, %dma_start3A_865] : memref<24576x256xf32, #tpu.memory_space<hbm>> -> memref<128x256xf32, #tpu.memory_space<hbm>>
    tpu.enqueue_dma source(%arg4 : memref<128x256xf32, #tpu.memory_space<vmem>>) target(%dma_start3A_866 : memref<128x256xf32, #tpu.memory_space<hbm>>) target_semaphore(%arg10 : memref<!tpu.dma_semaphore, #tpu.memory_space<semaphore_mem>>)
    %mul3A_867 = arith.constant 3 : i32
    %mul3A_868 = arith.muli %add3A, %mul3A_867 : i32
    %add3A_869 = arith.constant 2 : i32
    %add3A_870 = arith.addi %mul3A_868, %add3A_869 : i32
    %jit3A_871 = arith.constant 32 : i32
    %div3A_872 = arith.divsi %add3A_870, %jit3A_871 : i32
    %sign3A_873 = arith.constant 0 : i32
    %sign3A_874 = arith.cmpi sgt, %add3A_870, %sign3A_873 : i32
    %sign3A_875 = arith.extui %sign3A_874 : i1 to i32
    %sign3A_876 = arith.constant 0 : i32
    %sign3A_877 = arith.cmpi slt, %add3A_870, %sign3A_876 : i32
    %sign3A_878 = arith.extui %sign3A_877 : i1 to i32
    %sign3A_879 = arith.subi %sign3A_875, %sign3A_878 : i32
    %sign3A_880 = arith.constant 0 : i32
    %sign3A_881 = arith.cmpi sgt, %jit3A_871, %sign3A_880 : i32
    %sign3A_882 = arith.extui %sign3A_881 : i1 to i32
    %sign3A_883 = arith.constant 0 : i32
    %sign3A_884 = arith.cmpi slt, %jit3A_871, %sign3A_883 : i32
    %sign3A_885 = arith.extui %sign3A_884 : i1 to i32
    %sign3A_886 = arith.subi %sign3A_882, %sign3A_885 : i32
    %ne3A_887 = arith.cmpi ne, %sign3A_879, %sign3A_886 : i32
    %rem3A_888 = arith.remsi %add3A_870, %jit3A_871 : i32
    %ne3A_889 = arith.constant 0 : i32
    %ne3A_890 = arith.cmpi ne, %rem3A_888, %ne3A_889 : i32
    %and3A_891 = arith.andi %ne3A_887, %ne3A_890 : i1
    %sub3A_892 = arith.constant 1 : i32
    %sub3A_893 = arith.subi %div3A_872, %sub3A_892 : i32
    %select_n3A_894 = arith.select %and3A_891, %sub3A_893, %div3A_872 : i32
    %jit3A_895 = arith.constant 32 : i32
    %eq3A_896 = arith.constant 0 : i32
    %eq3A_897 = arith.cmpi eq, %jit3A_895, %eq3A_896 : i32
    %jit3A_898 = arith.constant 1 : i32
    %select_n3A_899 = arith.select %eq3A_897, %jit3A_898, %jit3A_895 : i32
    %rem3A_900 = arith.remsi %add3A_870, %select_n3A_899 : i32
    %ne3A_901 = arith.constant 0 : i32
    %ne3A_902 = arith.cmpi ne, %rem3A_900, %ne3A_901 : i32
    %lt3A_903 = arith.constant 0 : i32
    %lt3A_904 = arith.cmpi slt, %rem3A_900, %lt3A_903 : i32
    %lt3A_905 = arith.constant 0 : i32
    %lt3A_906 = arith.cmpi slt, %select_n3A_899, %lt3A_905 : i32
    %ne3A_907 = arith.xori %lt3A_904, %lt3A_906 : i1
    %and3A_908 = arith.andi %ne3A_907, %ne3A_902 : i1
    %add3A_909 = arith.addi %rem3A_900, %select_n3A_899 : i32
    %select_n3A_910 = arith.select %and3A_908, %add3A_909, %rem3A_900 : i32
    %mul3A_911 = arith.constant 127 : i32
    %mul3A_912 = arith.muli %select_n3A_910, %mul3A_911 : i32
    %jit3A_913 = arith.constant 31 : i32
    %div3A_914 = arith.divsi %mul3A_912, %jit3A_913 : i32
    %sign3A_915 = arith.constant 0 : i32
    %sign3A_916 = arith.cmpi sgt, %mul3A_912, %sign3A_915 : i32
    %sign3A_917 = arith.extui %sign3A_916 : i1 to i32
    %sign3A_918 = arith.constant 0 : i32
    %sign3A_919 = arith.cmpi slt, %mul3A_912, %sign3A_918 : i32
    %sign3A_920 = arith.extui %sign3A_919 : i1 to i32
    %sign3A_921 = arith.subi %sign3A_917, %sign3A_920 : i32
    %sign3A_922 = arith.constant 0 : i32
    %sign3A_923 = arith.cmpi sgt, %jit3A_913, %sign3A_922 : i32
    %sign3A_924 = arith.extui %sign3A_923 : i1 to i32
    %sign3A_925 = arith.constant 0 : i32
    %sign3A_926 = arith.cmpi slt, %jit3A_913, %sign3A_925 : i32
    %sign3A_927 = arith.extui %sign3A_926 : i1 to i32
    %sign3A_928 = arith.subi %sign3A_924, %sign3A_927 : i32
    %ne3A_929 = arith.cmpi ne, %sign3A_921, %sign3A_928 : i32
    %rem3A_930 = arith.remsi %mul3A_912, %jit3A_913 : i32
    %ne3A_931 = arith.constant 0 : i32
    %ne3A_932 = arith.cmpi ne, %rem3A_930, %ne3A_931 : i32
    %and3A_933 = arith.andi %ne3A_929, %ne3A_932 : i1
    %sub3A_934 = arith.constant 1 : i32
    %sub3A_935 = arith.subi %div3A_914, %sub3A_934 : i32
    %select_n3A_936 = arith.select %and3A_933, %sub3A_935, %div3A_914 : i32
    %mul3A_937 = arith.constant 128 : i32
    %mul3A_938 = arith.muli %select_n3A_894, %mul3A_937 : i32
    %add3A_939 = arith.addi %mul3A_938, %select_n3A_936 : i32
    %mul3A_940 = arith.constant 256 : i32
    %mul3A_941 = arith.muli %add3A_939, %mul3A_940 : i32
    %add3A_942 = arith.constant 0 : i32
    %add3A_943 = arith.addi %mul3A_941, %add3A_942 : i32
    %mul3A_944 = arith.constant 256 : i32
    %mul3A_945 = arith.muli %add3A_870, %mul3A_944 : i32
    %add3A_946 = arith.constant 0 : i32
    %add3A_947 = arith.addi %mul3A_945, %add3A_946 : i32
    %dma_wait3A_948 = arith.constant 0 : i32
    %dma_wait3A_949 = tpu.memref_slice %arg2[%add3A_943, %dma_wait3A_948] : memref<98304x256xf32, #tpu.memory_space<hbm>> -> memref<128x256xf32, #tpu.memory_space<hbm>>
    %dma_wait3A_950 = arith.constant 0 : i32
    %dma_wait3A_951 = tpu.memref_slice %arg2[%add3A_943, %dma_wait3A_950] : memref<98304x256xf32, #tpu.memory_space<hbm>> -> memref<128x256xf32, #tpu.memory_space<hbm>>
    tpu.wait_dma2 semaphore(%arg8 : memref<!tpu.dma_semaphore, #tpu.memory_space<semaphore_mem>>) src(%dma_wait3A_951 : memref<128x256xf32, #tpu.memory_space<hbm>>) dst(%arg5 : memref<128x256xf32, #tpu.memory_space<vmem>>)
    %dma_start3A_952 = arith.constant 0 : i32
    %dma_start3A_953 = tpu.memref_slice %arg3[%add3A_947, %dma_start3A_952] : memref<24576x256xf32, #tpu.memory_space<hbm>> -> memref<128x256xf32, #tpu.memory_space<hbm>>
    %dma_start3A_954 = arith.constant 0 : i32
    %dma_start3A_955 = tpu.memref_slice %arg3[%add3A_947, %dma_start3A_954] : memref<24576x256xf32, #tpu.memory_space<hbm>> -> memref<128x256xf32, #tpu.memory_space<hbm>>
    tpu.enqueue_dma source(%arg5 : memref<128x256xf32, #tpu.memory_space<vmem>>) target(%dma_start3A_955 : memref<128x256xf32, #tpu.memory_space<hbm>>) target_semaphore(%arg11 : memref<!tpu.dma_semaphore, #tpu.memory_space<semaphore_mem>>)
    %mul3A_956 = arith.constant 3 : i32
    %mul3A_957 = arith.muli %add3A, %mul3A_956 : i32
    %add3A_958 = arith.constant 2 : i32
    %add3A_959 = arith.addi %mul3A_957, %add3A_958 : i32
    %jit3A_960 = arith.constant 32 : i32
    %div3A_961 = arith.divsi %add3A_959, %jit3A_960 : i32
    %sign3A_962 = arith.constant 0 : i32
    %sign3A_963 = arith.cmpi sgt, %add3A_959, %sign3A_962 : i32
    %sign3A_964 = arith.extui %sign3A_963 : i1 to i32
    %sign3A_965 = arith.constant 0 : i32
    %sign3A_966 = arith.cmpi slt, %add3A_959, %sign3A_965 : i32
    %sign3A_967 = arith.extui %sign3A_966 : i1 to i32
    %sign3A_968 = arith.subi %sign3A_964, %sign3A_967 : i32
    %sign3A_969 = arith.constant 0 : i32
    %sign3A_970 = arith.cmpi sgt, %jit3A_960, %sign3A_969 : i32
    %sign3A_971 = arith.extui %sign3A_970 : i1 to i32
    %sign3A_972 = arith.constant 0 : i32
    %sign3A_973 = arith.cmpi slt, %jit3A_960, %sign3A_972 : i32
    %sign3A_974 = arith.extui %sign3A_973 : i1 to i32
    %sign3A_975 = arith.subi %sign3A_971, %sign3A_974 : i32
    %ne3A_976 = arith.cmpi ne, %sign3A_968, %sign3A_975 : i32
    %rem3A_977 = arith.remsi %add3A_959, %jit3A_960 : i32
    %ne3A_978 = arith.constant 0 : i32
    %ne3A_979 = arith.cmpi ne, %rem3A_977, %ne3A_978 : i32
    %and3A_980 = arith.andi %ne3A_976, %ne3A_979 : i1
    %sub3A_981 = arith.constant 1 : i32
    %sub3A_982 = arith.subi %div3A_961, %sub3A_981 : i32
    %select_n3A_983 = arith.select %and3A_980, %sub3A_982, %div3A_961 : i32
    %jit3A_984 = arith.constant 32 : i32
    %eq3A_985 = arith.constant 0 : i32
    %eq3A_986 = arith.cmpi eq, %jit3A_984, %eq3A_985 : i32
    %jit3A_987 = arith.constant 1 : i32
    %select_n3A_988 = arith.select %eq3A_986, %jit3A_987, %jit3A_984 : i32
    %rem3A_989 = arith.remsi %add3A_959, %select_n3A_988 : i32
    %ne3A_990 = arith.constant 0 : i32
    %ne3A_991 = arith.cmpi ne, %rem3A_989, %ne3A_990 : i32
    %lt3A_992 = arith.constant 0 : i32
    %lt3A_993 = arith.cmpi slt, %rem3A_989, %lt3A_992 : i32
    %lt3A_994 = arith.constant 0 : i32
    %lt3A_995 = arith.cmpi slt, %select_n3A_988, %lt3A_994 : i32
    %ne3A_996 = arith.xori %lt3A_993, %lt3A_995 : i1
    %and3A_997 = arith.andi %ne3A_996, %ne3A_991 : i1
    %add3A_998 = arith.addi %rem3A_989, %select_n3A_988 : i32
    %select_n3A_999 = arith.select %and3A_997, %add3A_998, %rem3A_989 : i32
    %mul3A_1000 = arith.constant 127 : i32
    %mul3A_1001 = arith.muli %select_n3A_999, %mul3A_1000 : i32
    %jit3A_1002 = arith.constant 31 : i32
    %div3A_1003 = arith.divsi %mul3A_1001, %jit3A_1002 : i32
    %sign3A_1004 = arith.constant 0 : i32
    %sign3A_1005 = arith.cmpi sgt, %mul3A_1001, %sign3A_1004 : i32
    %sign3A_1006 = arith.extui %sign3A_1005 : i1 to i32
    %sign3A_1007 = arith.constant 0 : i32
    %sign3A_1008 = arith.cmpi slt, %mul3A_1001, %sign3A_1007 : i32
    %sign3A_1009 = arith.extui %sign3A_1008 : i1 to i32
    %sign3A_1010 = arith.subi %sign3A_1006, %sign3A_1009 : i32
    %sign3A_1011 = arith.constant 0 : i32
    %sign3A_1012 = arith.cmpi sgt, %jit3A_1002, %sign3A_1011 : i32
    %sign3A_1013 = arith.extui %sign3A_1012 : i1 to i32
    %sign3A_1014 = arith.constant 0 : i32
    %sign3A_1015 = arith.cmpi slt, %jit3A_1002, %sign3A_1014 : i32
    %sign3A_1016 = arith.extui %sign3A_1015 : i1 to i32
    %sign3A_1017 = arith.subi %sign3A_1013, %sign3A_1016 : i32
    %ne3A_1018 = arith.cmpi ne, %sign3A_1010, %sign3A_1017 : i32
    %rem3A_1019 = arith.remsi %mul3A_1001, %jit3A_1002 : i32
    %ne3A_1020 = arith.constant 0 : i32
    %ne3A_1021 = arith.cmpi ne, %rem3A_1019, %ne3A_1020 : i32
    %and3A_1022 = arith.andi %ne3A_1018, %ne3A_1021 : i1
    %sub3A_1023 = arith.constant 1 : i32
    %sub3A_1024 = arith.subi %div3A_1003, %sub3A_1023 : i32
    %select_n3A_1025 = arith.select %and3A_1022, %sub3A_1024, %div3A_1003 : i32
    %mul3A_1026 = arith.constant 128 : i32
    %mul3A_1027 = arith.muli %select_n3A_983, %mul3A_1026 : i32
    %add3A_1028 = arith.addi %mul3A_1027, %select_n3A_1025 : i32
    %mul3A_1029 = arith.constant 256 : i32
    %mul3A_1030 = arith.muli %add3A_1028, %mul3A_1029 : i32
    %add3A_1031 = arith.constant 128 : i32
    %add3A_1032 = arith.addi %mul3A_1030, %add3A_1031 : i32
    %mul3A_1033 = arith.constant 256 : i32
    %mul3A_1034 = arith.muli %add3A_959, %mul3A_1033 : i32
    %add3A_1035 = arith.constant 128 : i32
    %add3A_1036 = arith.addi %mul3A_1034, %add3A_1035 : i32
    %dma_wait3A_1037 = arith.constant 0 : i32
    %dma_wait3A_1038 = tpu.memref_slice %arg2[%add3A_1032, %dma_wait3A_1037] : memref<98304x256xf32, #tpu.memory_space<hbm>> -> memref<128x256xf32, #tpu.memory_space<hbm>>
    %dma_wait3A_1039 = arith.constant 0 : i32
    %dma_wait3A_1040 = tpu.memref_slice %arg2[%add3A_1032, %dma_wait3A_1039] : memref<98304x256xf32, #tpu.memory_space<hbm>> -> memref<128x256xf32, #tpu.memory_space<hbm>>
    tpu.wait_dma2 semaphore(%arg9 : memref<!tpu.dma_semaphore, #tpu.memory_space<semaphore_mem>>) src(%dma_wait3A_1040 : memref<128x256xf32, #tpu.memory_space<hbm>>) dst(%arg6 : memref<128x256xf32, #tpu.memory_space<vmem>>)
    %dma_start3A_1041 = arith.constant 0 : i32
    %dma_start3A_1042 = tpu.memref_slice %arg3[%add3A_1036, %dma_start3A_1041] : memref<24576x256xf32, #tpu.memory_space<hbm>> -> memref<128x256xf32, #tpu.memory_space<hbm>>
    %dma_start3A_1043 = arith.constant 0 : i32
    %dma_start3A_1044 = tpu.memref_slice %arg3[%add3A_1036, %dma_start3A_1043] : memref<24576x256xf32, #tpu.memory_space<hbm>> -> memref<128x256xf32, #tpu.memory_space<hbm>>
    tpu.enqueue_dma source(%arg6 : memref<128x256xf32, #tpu.memory_space<vmem>>) target(%dma_start3A_1044 : memref<128x256xf32, #tpu.memory_space<hbm>>) target_semaphore(%arg12 : memref<!tpu.dma_semaphore, #tpu.memory_space<semaphore_mem>>)
    %mul3A_1045 = arith.constant 3 : i32
    %mul3A_1046 = arith.muli %add3A, %mul3A_1045 : i32
    %add3A_1047 = arith.constant 1 : i32
    %add3A_1048 = arith.addi %mul3A_1046, %add3A_1047 : i32
    %jit3A_1049 = arith.constant 32 : i32
    %div3A_1050 = arith.divsi %add3A_1048, %jit3A_1049 : i32
    %sign3A_1051 = arith.constant 0 : i32
    %sign3A_1052 = arith.cmpi sgt, %add3A_1048, %sign3A_1051 : i32
    %sign3A_1053 = arith.extui %sign3A_1052 : i1 to i32
    %sign3A_1054 = arith.constant 0 : i32
    %sign3A_1055 = arith.cmpi slt, %add3A_1048, %sign3A_1054 : i32
    %sign3A_1056 = arith.extui %sign3A_1055 : i1 to i32
    %sign3A_1057 = arith.subi %sign3A_1053, %sign3A_1056 : i32
    %sign3A_1058 = arith.constant 0 : i32
    %sign3A_1059 = arith.cmpi sgt, %jit3A_1049, %sign3A_1058 : i32
    %sign3A_1060 = arith.extui %sign3A_1059 : i1 to i32
    %sign3A_1061 = arith.constant 0 : i32
    %sign3A_1062 = arith.cmpi slt, %jit3A_1049, %sign3A_1061 : i32
    %sign3A_1063 = arith.extui %sign3A_1062 : i1 to i32
    %sign3A_1064 = arith.subi %sign3A_1060, %sign3A_1063 : i32
    %ne3A_1065 = arith.cmpi ne, %sign3A_1057, %sign3A_1064 : i32
    %rem3A_1066 = arith.remsi %add3A_1048, %jit3A_1049 : i32
    %ne3A_1067 = arith.constant 0 : i32
    %ne3A_1068 = arith.cmpi ne, %rem3A_1066, %ne3A_1067 : i32
    %and3A_1069 = arith.andi %ne3A_1065, %ne3A_1068 : i1
    %sub3A_1070 = arith.constant 1 : i32
    %sub3A_1071 = arith.subi %div3A_1050, %sub3A_1070 : i32
    %select_n3A_1072 = arith.select %and3A_1069, %sub3A_1071, %div3A_1050 : i32
    %jit3A_1073 = arith.constant 32 : i32
    %eq3A_1074 = arith.constant 0 : i32
    %eq3A_1075 = arith.cmpi eq, %jit3A_1073, %eq3A_1074 : i32
    %jit3A_1076 = arith.constant 1 : i32
    %select_n3A_1077 = arith.select %eq3A_1075, %jit3A_1076, %jit3A_1073 : i32
    %rem3A_1078 = arith.remsi %add3A_1048, %select_n3A_1077 : i32
    %ne3A_1079 = arith.constant 0 : i32
    %ne3A_1080 = arith.cmpi ne, %rem3A_1078, %ne3A_1079 : i32
    %lt3A_1081 = arith.constant 0 : i32
    %lt3A_1082 = arith.cmpi slt, %rem3A_1078, %lt3A_1081 : i32
    %lt3A_1083 = arith.constant 0 : i32
    %lt3A_1084 = arith.cmpi slt, %select_n3A_1077, %lt3A_1083 : i32
    %ne3A_1085 = arith.xori %lt3A_1082, %lt3A_1084 : i1
    %and3A_1086 = arith.andi %ne3A_1085, %ne3A_1080 : i1
    %add3A_1087 = arith.addi %rem3A_1078, %select_n3A_1077 : i32
    %select_n3A_1088 = arith.select %and3A_1086, %add3A_1087, %rem3A_1078 : i32
    %mul3A_1089 = arith.constant 127 : i32
    %mul3A_1090 = arith.muli %select_n3A_1088, %mul3A_1089 : i32
    %jit3A_1091 = arith.constant 31 : i32
    %div3A_1092 = arith.divsi %mul3A_1090, %jit3A_1091 : i32
    %sign3A_1093 = arith.constant 0 : i32
    %sign3A_1094 = arith.cmpi sgt, %mul3A_1090, %sign3A_1093 : i32
    %sign3A_1095 = arith.extui %sign3A_1094 : i1 to i32
    %sign3A_1096 = arith.constant 0 : i32
    %sign3A_1097 = arith.cmpi slt, %mul3A_1090, %sign3A_1096 : i32
    %sign3A_1098 = arith.extui %sign3A_1097 : i1 to i32
    %sign3A_1099 = arith.subi %sign3A_1095, %sign3A_1098 : i32
    %sign3A_1100 = arith.constant 0 : i32
    %sign3A_1101 = arith.cmpi sgt, %jit3A_1091, %sign3A_1100 : i32
    %sign3A_1102 = arith.extui %sign3A_1101 : i1 to i32
    %sign3A_1103 = arith.constant 0 : i32
    %sign3A_1104 = arith.cmpi slt, %jit3A_1091, %sign3A_1103 : i32
    %sign3A_1105 = arith.extui %sign3A_1104 : i1 to i32
    %sign3A_1106 = arith.subi %sign3A_1102, %sign3A_1105 : i32
    %ne3A_1107 = arith.cmpi ne, %sign3A_1099, %sign3A_1106 : i32
    %rem3A_1108 = arith.remsi %mul3A_1090, %jit3A_1091 : i32
    %ne3A_1109 = arith.constant 0 : i32
    %ne3A_1110 = arith.cmpi ne, %rem3A_1108, %ne3A_1109 : i32
    %and3A_1111 = arith.andi %ne3A_1107, %ne3A_1110 : i1
    %sub3A_1112 = arith.constant 1 : i32
    %sub3A_1113 = arith.subi %div3A_1092, %sub3A_1112 : i32
    %select_n3A_1114 = arith.select %and3A_1111, %sub3A_1113, %div3A_1092 : i32
    %mul3A_1115 = arith.constant 128 : i32
    %mul3A_1116 = arith.muli %select_n3A_1072, %mul3A_1115 : i32
    %add3A_1117 = arith.addi %mul3A_1116, %select_n3A_1114 : i32
    %mul3A_1118 = arith.constant 256 : i32
    %mul3A_1119 = arith.muli %add3A_1117, %mul3A_1118 : i32
    %add3A_1120 = arith.constant 128 : i32
    %add3A_1121 = arith.addi %mul3A_1119, %add3A_1120 : i32
    %mul3A_1122 = arith.constant 256 : i32
    %mul3A_1123 = arith.muli %add3A_1048, %mul3A_1122 : i32
    %add3A_1124 = arith.constant 128 : i32
    %add3A_1125 = arith.addi %mul3A_1123, %add3A_1124 : i32
    %dma_wait3A_1126 = arith.constant 0 : i32
    %dma_wait3A_1127 = tpu.memref_slice %arg3[%add3A_1125, %dma_wait3A_1126] : memref<24576x256xf32, #tpu.memory_space<hbm>> -> memref<128x256xf32, #tpu.memory_space<hbm>>
    %dma_wait3A_1128 = arith.constant 0 : i32
    %dma_wait3A_1129 = tpu.memref_slice %arg3[%add3A_1125, %dma_wait3A_1128] : memref<24576x256xf32, #tpu.memory_space<hbm>> -> memref<128x256xf32, #tpu.memory_space<hbm>>
    tpu.wait_dma2 semaphore(%arg10 : memref<!tpu.dma_semaphore, #tpu.memory_space<semaphore_mem>>) src(%arg4 : memref<128x256xf32, #tpu.memory_space<vmem>>) dst(%dma_wait3A_1129 : memref<128x256xf32, #tpu.memory_space<hbm>>)
    %mul3A_1130 = arith.constant 3 : i32
    %mul3A_1131 = arith.muli %add3A, %mul3A_1130 : i32
    %add3A_1132 = arith.constant 2 : i32
    %add3A_1133 = arith.addi %mul3A_1131, %add3A_1132 : i32
    %jit3A_1134 = arith.constant 32 : i32
    %div3A_1135 = arith.divsi %add3A_1133, %jit3A_1134 : i32
    %sign3A_1136 = arith.constant 0 : i32
    %sign3A_1137 = arith.cmpi sgt, %add3A_1133, %sign3A_1136 : i32
    %sign3A_1138 = arith.extui %sign3A_1137 : i1 to i32
    %sign3A_1139 = arith.constant 0 : i32
    %sign3A_1140 = arith.cmpi slt, %add3A_1133, %sign3A_1139 : i32
    %sign3A_1141 = arith.extui %sign3A_1140 : i1 to i32
    %sign3A_1142 = arith.subi %sign3A_1138, %sign3A_1141 : i32
    %sign3A_1143 = arith.constant 0 : i32
    %sign3A_1144 = arith.cmpi sgt, %jit3A_1134, %sign3A_1143 : i32
    %sign3A_1145 = arith.extui %sign3A_1144 : i1 to i32
    %sign3A_1146 = arith.constant 0 : i32
    %sign3A_1147 = arith.cmpi slt, %jit3A_1134, %sign3A_1146 : i32
    %sign3A_1148 = arith.extui %sign3A_1147 : i1 to i32
    %sign3A_1149 = arith.subi %sign3A_1145, %sign3A_1148 : i32
    %ne3A_1150 = arith.cmpi ne, %sign3A_1142, %sign3A_1149 : i32
    %rem3A_1151 = arith.remsi %add3A_1133, %jit3A_1134 : i32
    %ne3A_1152 = arith.constant 0 : i32
    %ne3A_1153 = arith.cmpi ne, %rem3A_1151, %ne3A_1152 : i32
    %and3A_1154 = arith.andi %ne3A_1150, %ne3A_1153 : i1
    %sub3A_1155 = arith.constant 1 : i32
    %sub3A_1156 = arith.subi %div3A_1135, %sub3A_1155 : i32
    %select_n3A_1157 = arith.select %and3A_1154, %sub3A_1156, %div3A_1135 : i32
    %jit3A_1158 = arith.constant 32 : i32
    %eq3A_1159 = arith.constant 0 : i32
    %eq3A_1160 = arith.cmpi eq, %jit3A_1158, %eq3A_1159 : i32
    %jit3A_1161 = arith.constant 1 : i32
    %select_n3A_1162 = arith.select %eq3A_1160, %jit3A_1161, %jit3A_1158 : i32
    %rem3A_1163 = arith.remsi %add3A_1133, %select_n3A_1162 : i32
    %ne3A_1164 = arith.constant 0 : i32
    %ne3A_1165 = arith.cmpi ne, %rem3A_1163, %ne3A_1164 : i32
    %lt3A_1166 = arith.constant 0 : i32
    %lt3A_1167 = arith.cmpi slt, %rem3A_1163, %lt3A_1166 : i32
    %lt3A_1168 = arith.constant 0 : i32
    %lt3A_1169 = arith.cmpi slt, %select_n3A_1162, %lt3A_1168 : i32
    %ne3A_1170 = arith.xori %lt3A_1167, %lt3A_1169 : i1
    %and3A_1171 = arith.andi %ne3A_1170, %ne3A_1165 : i1
    %add3A_1172 = arith.addi %rem3A_1163, %select_n3A_1162 : i32
    %select_n3A_1173 = arith.select %and3A_1171, %add3A_1172, %rem3A_1163 : i32
    %mul3A_1174 = arith.constant 127 : i32
    %mul3A_1175 = arith.muli %select_n3A_1173, %mul3A_1174 : i32
    %jit3A_1176 = arith.constant 31 : i32
    %div3A_1177 = arith.divsi %mul3A_1175, %jit3A_1176 : i32
    %sign3A_1178 = arith.constant 0 : i32
    %sign3A_1179 = arith.cmpi sgt, %mul3A_1175, %sign3A_1178 : i32
    %sign3A_1180 = arith.extui %sign3A_1179 : i1 to i32
    %sign3A_1181 = arith.constant 0 : i32
    %sign3A_1182 = arith.cmpi slt, %mul3A_1175, %sign3A_1181 : i32
    %sign3A_1183 = arith.extui %sign3A_1182 : i1 to i32
    %sign3A_1184 = arith.subi %sign3A_1180, %sign3A_1183 : i32
    %sign3A_1185 = arith.constant 0 : i32
    %sign3A_1186 = arith.cmpi sgt, %jit3A_1176, %sign3A_1185 : i32
    %sign3A_1187 = arith.extui %sign3A_1186 : i1 to i32
    %sign3A_1188 = arith.constant 0 : i32
    %sign3A_1189 = arith.cmpi slt, %jit3A_1176, %sign3A_1188 : i32
    %sign3A_1190 = arith.extui %sign3A_1189 : i1 to i32
    %sign3A_1191 = arith.subi %sign3A_1187, %sign3A_1190 : i32
    %ne3A_1192 = arith.cmpi ne, %sign3A_1184, %sign3A_1191 : i32
    %rem3A_1193 = arith.remsi %mul3A_1175, %jit3A_1176 : i32
    %ne3A_1194 = arith.constant 0 : i32
    %ne3A_1195 = arith.cmpi ne, %rem3A_1193, %ne3A_1194 : i32
    %and3A_1196 = arith.andi %ne3A_1192, %ne3A_1195 : i1
    %sub3A_1197 = arith.constant 1 : i32
    %sub3A_1198 = arith.subi %div3A_1177, %sub3A_1197 : i32
    %select_n3A_1199 = arith.select %and3A_1196, %sub3A_1198, %div3A_1177 : i32
    %mul3A_1200 = arith.constant 128 : i32
    %mul3A_1201 = arith.muli %select_n3A_1157, %mul3A_1200 : i32
    %add3A_1202 = arith.addi %mul3A_1201, %select_n3A_1199 : i32
    %mul3A_1203 = arith.constant 256 : i32
    %mul3A_1204 = arith.muli %add3A_1202, %mul3A_1203 : i32
    %add3A_1205 = arith.constant 0 : i32
    %add3A_1206 = arith.addi %mul3A_1204, %add3A_1205 : i32
    %mul3A_1207 = arith.constant 256 : i32
    %mul3A_1208 = arith.muli %add3A_1133, %mul3A_1207 : i32
    %add3A_1209 = arith.constant 0 : i32
    %add3A_1210 = arith.addi %mul3A_1208, %add3A_1209 : i32
    %dma_wait3A_1211 = arith.constant 0 : i32
    %dma_wait3A_1212 = tpu.memref_slice %arg3[%add3A_1210, %dma_wait3A_1211] : memref<24576x256xf32, #tpu.memory_space<hbm>> -> memref<128x256xf32, #tpu.memory_space<hbm>>
    %dma_wait3A_1213 = arith.constant 0 : i32
    %dma_wait3A_1214 = tpu.memref_slice %arg3[%add3A_1210, %dma_wait3A_1213] : memref<24576x256xf32, #tpu.memory_space<hbm>> -> memref<128x256xf32, #tpu.memory_space<hbm>>
    tpu.wait_dma2 semaphore(%arg11 : memref<!tpu.dma_semaphore, #tpu.memory_space<semaphore_mem>>) src(%arg5 : memref<128x256xf32, #tpu.memory_space<vmem>>) dst(%dma_wait3A_1214 : memref<128x256xf32, #tpu.memory_space<hbm>>)
    %mul3A_1215 = arith.constant 3 : i32
    %mul3A_1216 = arith.muli %add3A, %mul3A_1215 : i32
    %add3A_1217 = arith.constant 2 : i32
    %add3A_1218 = arith.addi %mul3A_1216, %add3A_1217 : i32
    %jit3A_1219 = arith.constant 32 : i32
    %div3A_1220 = arith.divsi %add3A_1218, %jit3A_1219 : i32
    %sign3A_1221 = arith.constant 0 : i32
    %sign3A_1222 = arith.cmpi sgt, %add3A_1218, %sign3A_1221 : i32
    %sign3A_1223 = arith.extui %sign3A_1222 : i1 to i32
    %sign3A_1224 = arith.constant 0 : i32
    %sign3A_1225 = arith.cmpi slt, %add3A_1218, %sign3A_1224 : i32
    %sign3A_1226 = arith.extui %sign3A_1225 : i1 to i32
    %sign3A_1227 = arith.subi %sign3A_1223, %sign3A_1226 : i32
    %sign3A_1228 = arith.constant 0 : i32
    %sign3A_1229 = arith.cmpi sgt, %jit3A_1219, %sign3A_1228 : i32
    %sign3A_1230 = arith.extui %sign3A_1229 : i1 to i32
    %sign3A_1231 = arith.constant 0 : i32
    %sign3A_1232 = arith.cmpi slt, %jit3A_1219, %sign3A_1231 : i32
    %sign3A_1233 = arith.extui %sign3A_1232 : i1 to i32
    %sign3A_1234 = arith.subi %sign3A_1230, %sign3A_1233 : i32
    %ne3A_1235 = arith.cmpi ne, %sign3A_1227, %sign3A_1234 : i32
    %rem3A_1236 = arith.remsi %add3A_1218, %jit3A_1219 : i32
    %ne3A_1237 = arith.constant 0 : i32
    %ne3A_1238 = arith.cmpi ne, %rem3A_1236, %ne3A_1237 : i32
    %and3A_1239 = arith.andi %ne3A_1235, %ne3A_1238 : i1
    %sub3A_1240 = arith.constant 1 : i32
    %sub3A_1241 = arith.subi %div3A_1220, %sub3A_1240 : i32
    %select_n3A_1242 = arith.select %and3A_1239, %sub3A_1241, %div3A_1220 : i32
    %jit3A_1243 = arith.constant 32 : i32
    %eq3A_1244 = arith.constant 0 : i32
    %eq3A_1245 = arith.cmpi eq, %jit3A_1243, %eq3A_1244 : i32
    %jit3A_1246 = arith.constant 1 : i32
    %select_n3A_1247 = arith.select %eq3A_1245, %jit3A_1246, %jit3A_1243 : i32
    %rem3A_1248 = arith.remsi %add3A_1218, %select_n3A_1247 : i32
    %ne3A_1249 = arith.constant 0 : i32
    %ne3A_1250 = arith.cmpi ne, %rem3A_1248, %ne3A_1249 : i32
    %lt3A_1251 = arith.constant 0 : i32
    %lt3A_1252 = arith.cmpi slt, %rem3A_1248, %lt3A_1251 : i32
    %lt3A_1253 = arith.constant 0 : i32
    %lt3A_1254 = arith.cmpi slt, %select_n3A_1247, %lt3A_1253 : i32
    %ne3A_1255 = arith.xori %lt3A_1252, %lt3A_1254 : i1
    %and3A_1256 = arith.andi %ne3A_1255, %ne3A_1250 : i1
    %add3A_1257 = arith.addi %rem3A_1248, %select_n3A_1247 : i32
    %select_n3A_1258 = arith.select %and3A_1256, %add3A_1257, %rem3A_1248 : i32
    %mul3A_1259 = arith.constant 127 : i32
    %mul3A_1260 = arith.muli %select_n3A_1258, %mul3A_1259 : i32
    %jit3A_1261 = arith.constant 31 : i32
    %div3A_1262 = arith.divsi %mul3A_1260, %jit3A_1261 : i32
    %sign3A_1263 = arith.constant 0 : i32
    %sign3A_1264 = arith.cmpi sgt, %mul3A_1260, %sign3A_1263 : i32
    %sign3A_1265 = arith.extui %sign3A_1264 : i1 to i32
    %sign3A_1266 = arith.constant 0 : i32
    %sign3A_1267 = arith.cmpi slt, %mul3A_1260, %sign3A_1266 : i32
    %sign3A_1268 = arith.extui %sign3A_1267 : i1 to i32
    %sign3A_1269 = arith.subi %sign3A_1265, %sign3A_1268 : i32
    %sign3A_1270 = arith.constant 0 : i32
    %sign3A_1271 = arith.cmpi sgt, %jit3A_1261, %sign3A_1270 : i32
    %sign3A_1272 = arith.extui %sign3A_1271 : i1 to i32
    %sign3A_1273 = arith.constant 0 : i32
    %sign3A_1274 = arith.cmpi slt, %jit3A_1261, %sign3A_1273 : i32
    %sign3A_1275 = arith.extui %sign3A_1274 : i1 to i32
    %sign3A_1276 = arith.subi %sign3A_1272, %sign3A_1275 : i32
    %ne3A_1277 = arith.cmpi ne, %sign3A_1269, %sign3A_1276 : i32
    %rem3A_1278 = arith.remsi %mul3A_1260, %jit3A_1261 : i32
    %ne3A_1279 = arith.constant 0 : i32
    %ne3A_1280 = arith.cmpi ne, %rem3A_1278, %ne3A_1279 : i32
    %and3A_1281 = arith.andi %ne3A_1277, %ne3A_1280 : i1
    %sub3A_1282 = arith.constant 1 : i32
    %sub3A_1283 = arith.subi %div3A_1262, %sub3A_1282 : i32
    %select_n3A_1284 = arith.select %and3A_1281, %sub3A_1283, %div3A_1262 : i32
    %mul3A_1285 = arith.constant 128 : i32
    %mul3A_1286 = arith.muli %select_n3A_1242, %mul3A_1285 : i32
    %add3A_1287 = arith.addi %mul3A_1286, %select_n3A_1284 : i32
    %mul3A_1288 = arith.constant 256 : i32
    %mul3A_1289 = arith.muli %add3A_1287, %mul3A_1288 : i32
    %add3A_1290 = arith.constant 128 : i32
    %add3A_1291 = arith.addi %mul3A_1289, %add3A_1290 : i32
    %mul3A_1292 = arith.constant 256 : i32
    %mul3A_1293 = arith.muli %add3A_1218, %mul3A_1292 : i32
    %add3A_1294 = arith.constant 128 : i32
    %add3A_1295 = arith.addi %mul3A_1293, %add3A_1294 : i32
    %dma_wait3A_1296 = arith.constant 0 : i32
    %dma_wait3A_1297 = tpu.memref_slice %arg3[%add3A_1295, %dma_wait3A_1296] : memref<24576x256xf32, #tpu.memory_space<hbm>> -> memref<128x256xf32, #tpu.memory_space<hbm>>
    %dma_wait3A_1298 = arith.constant 0 : i32
    %dma_wait3A_1299 = tpu.memref_slice %arg3[%add3A_1295, %dma_wait3A_1298] : memref<24576x256xf32, #tpu.memory_space<hbm>> -> memref<128x256xf32, #tpu.memory_space<hbm>>
    tpu.wait_dma2 semaphore(%arg12 : memref<!tpu.dma_semaphore, #tpu.memory_space<semaphore_mem>>) src(%arg6 : memref<128x256xf32, #tpu.memory_space<vmem>>) dst(%dma_wait3A_1299 : memref<128x256xf32, #tpu.memory_space<hbm>>)
    return
  }
}

</mosaic_0001>

<sc_bundles>
// kernel: kernel.3.cloned.1.call-start
scs
__scs_entry_jumppad:
0x0: {  	(pc) =	sbr.rel $0x88, $3  }
0x1: {  	(tag) =	ssettag $0x0;
	lr =	simm.s32 $0x1  }
0x2: {  	[smem:$0x3FA0] =	sst lr;
	_ =	strace $0xD0000000  }
0x3: {  	_ = 	snop  }
0x4: {  	_ = 	snop  }
0x5: {  	_ = 	snop  }
0x6: {  	_ = 	snop  }
0x7: {  	_ = 	snop  }
__scs_overlays_trampoline_lowered:
0x8: {  	[smem:$0x3FAF] =	sst s0  }
0x9: {  	[smem:$0x3FB0] =	sst s1  }
0xa: {  	[smem:$0x3FB1] =	sst s2  }
0xb: {  	[smem:$0x3FB2] =	sst s3  }
0xc: {  	[smem:$0x3FB3] =	sst s4  }
0xd: {  	[smem:$0x3FB4] =	sst s5  }
0xe: {  	[smem:$0x3FB5] =	sst s6  }
0xf: {  	[smem:$0x3FB6] =	sst s7  }
0x10: {  	[smem:$0x3FB7] =	sst s8  }
0x11: {  	[smem:$0x3FB8] =	sst s9;
	s0 =	simm.s32 @!p0 $0x0  }
0x12: {  	s1 =	sld [smem:$0x3F9E];
	s0 =	simm.s32 @p0 $0x1  }
0x13: {  	[smem:$0x3FB9] =	sst s0;
	s0 =	simm.s32 @!p1 $0x0  }
0x14: {  	s2 =	sld [smem:$0x3F9D];
	s0 =	simm.s32 @p1 $0x1  }
0x15: {  	[smem:$0x3FBA] =	sst s0;
	s0 =	simm.s32 @!p2 $0x0  }
0x16: {  	s3 =	sld [smem:$0x3FDB];
	s0 =	simm.s32 @p2 $0x1  }
0x17: {  	s4 =	simm.s32 $0x1BF5;
	[smem:$0x3FBC] =	sst s0  }
0x18: {  	s0 =	sld [smem:$0x3F9F];
	_ =	swait.ge [sflag:s4], $0x0  }
0x19: {  	s7 =	sld [smem:$0x3FA0]  }
0x1a: {  	s8 =	sadd.s32 $0xFFFFE003, lr  }
0x1b: {  	s9 =	sadd.s32 $0xFFFFFEF7, lr;
	s5 =	simm.s32 $0xFFFFFFFF;
	p2 =	slt.u32 s8, $0xFFFFF086  }
0x1c: {  	p1 =	slt.u32 s9, $0xF7A;
	s5 =	simm.s32 @!p2 $0x0  }
0x1d: {  	s5 =	simm.s32 @p1 $0x1;
	p0 =	seq.s32 s7, s2  }
0x1e: {  	s7 =	smul.u32 @!p0 $0xF7A, s2;
	p2 =	seq.s32 @!p0 s5, $0x0  }
0x1f: {  	s9 =	smul.u32 $0xF7A, s1;
	s8 =	simm.s32 @!p0 $0x1BF5;
	p2 =	por !p2, p0  }
0x20: {  	[sflag:s8] =	ssyncset.s32 @!p0 $0xFFFFF086;
	s6 =	sadd.s32 @!p0 s3, s7;
	s7 =	simm.s32 @!p0 $0x108  }
0x21: {  	s3 =	sadd.s32 s3, s9;
	s6 =	sadd.s32 @!p0 $0x88, s6;
	s7 =	simm.s32 @p2 $0x1082  }
0x22: {  	[simem:s7], [sflag:s8] =	dma.local @!p0 [hbm:s6], $0xF7A  }
0x23: {  	s9 =	sor.u32 $0xD0000000, s2;
	s6 =	simm.s32 $0x108;
	_ =	swait.ge @!p0 [sflag:s8], $0x0  }
0x24: {  	s3 =	sadd.s32 $0x88, s3;
	s6 =	simm.s32 @!p1 $0x1082;
	[sflag:s4] =	ssyncset.s32 $0xFFFFF086  }
0x25: {  	[simem:s6], [sflag:s4] =	dma.local [hbm:s3], $0xF7A  }
0x26: {  	[smem:$0x3FA0] =	sst s1;
	(tag) =	ssettag s2;
	_ =	strace s9  }
0x27: {  	s1 =	sld [smem:$0x3FB0]  }
0x28: {  	s2 =	sld [smem:$0x3FB1]  }
0x29: {  	s4 =	sld [smem:$0x3FB3]  }
0x2a: {  	p0 =	seq.s32 s5, $0x0;
	s5 =	sld [smem:$0x3FB4]  }
0x2b: {  	s6 =	sld [smem:$0x3FB5]  }
0x2c: {  	s7 =	sld [smem:$0x3FB6]  }
0x2d: {  	s3 =	simm.s32 $0x108;
	s8 =	sld [smem:$0x3FB7]  }
0x2e: {  	s3 =	simm.s32 @!p0 $0x1082;
	s9 =	sld [smem:$0x3FB8]  }
0x2f: {  	lr =	sadd.s32 s0, s3;
	s0 =	sld [smem:$0x3FAF]  }
0x30: {  	s3 =	sld [smem:$0x3FB2]  }
0x31: {  	[smem:$0x3FBB] =	sst s10  }
0x32: {  	s10 =	sld [smem:$0x3FB9];
	_ =	sdelay $0x3  }
0x33: {  	p0 =	seq.s32 s10, $0x1;
	s10 =	sld [smem:$0x3FBB];
	_ =	sdelay $0x3  }
0x34: {  	[smem:$0x3FBB] =	sst s10  }
0x35: {  	s10 =	sld [smem:$0x3FBA];
	_ =	sdelay $0x3  }
0x36: {  	p1 =	seq.s32 s10, $0x1;
	s10 =	sld [smem:$0x3FBB];
	_ =	sdelay $0x3  }
0x37: {  	[smem:$0x3FBB] =	sst s10  }
0x38: {  	s10 =	sld [smem:$0x3FBC]  }
0x39: {  	_ = 	snop;
	(pc) =	sbr.ind lr, $3  }
0x3a: {  	_ = 	snop  }
0x3b: {  	_ = 	snop  }
0x3c: {  	p2 =	seq.s32 s10, $0x1;
	s10 =	sld [smem:$0x3FBB]  }
0x3d: {  	_ =	shalt  }
0x3e: {  	_ =	shalt  }
0x3f: {  	_ =	shalt  }
0x40: {  	_ =	shalt  }
0x41: {  	_ =	shalt  }
0x42: {  	_ =	shalt  }
0x43: {  	_ =	shalt  }
0x44: {  	_ =	shalt  }
0x45: {  	_ =	shalt  }
0x46: {  	_ =	shalt  }
0x47: {  	_ =	shalt  }
0x48: {  	_ =	shalt  }
0x49: {  	_ =	shalt  }
0x4a: {  	_ =	shalt  }
0x4b: {  	_ =	shalt  }
0x4c: {  	_ =	shalt  }
0x4d: {  	_ =	shalt  }
0x4e: {  	_ =	shalt  }
0x4f: {  	_ =	shalt  }
0x50: {  	_ =	shalt  }
0x51: {  	_ =	shalt  }
0x52: {  	_ =	shalt  }
0x53: {  	_ =	shalt  }
0x54: {  	_ =	shalt  }
0x55: {  	_ =	shalt  }
0x56: {  	_ =	shalt  }
0x57: {  	_ =	shalt  }
0x58: {  	_ =	shalt  }
0x59: {  	_ =	shalt  }
0x5a: {  	_ =	shalt  }
0x5b: {  	_ =	shalt  }
0x5c: {  	_ =	shalt  }
0x5d: {  	_ =	shalt  }
0x5e: {  	_ =	shalt  }
0x5f: {  	_ =	shalt  }
0x60: {  	_ =	shalt  }
0x61: {  	_ =	shalt  }
0x62: {  	_ =	shalt  }
0x63: {  	_ =	shalt  }
0x64: {  	_ =	shalt  }
0x65: {  	_ =	shalt  }
0x66: {  	_ =	shalt  }
0x67: {  	_ =	shalt  }
0x68: {  	_ =	shalt  }
0x69: {  	_ =	shalt  }
0x6a: {  	_ =	shalt  }
0x6b: {  	_ =	shalt  }
0x6c: {  	_ =	shalt  }
0x6d: {  	_ =	shalt  }
0x6e: {  	_ =	shalt  }
0x6f: {  	_ =	shalt  }
0x70: {  	_ =	shalt  }
0x71: {  	_ =	shalt  }
0x72: {  	_ =	shalt  }
0x73: {  	_ =	shalt  }
0x74: {  	_ =	shalt  }
0x75: {  	_ =	shalt  }
0x76: {  	_ =	shalt  }
0x77: {  	_ =	shalt  }
0x78: {  	_ =	shalt  }
0x79: {  	_ =	shalt  }
0x7a: {  	_ =	shalt  }
0x7b: {  	_ =	shalt  }
0x7c: {  	_ =	shalt  }
0x7d: {  	_ =	shalt  }
0x7e: {  	_ =	shalt  }
0x7f: {  	_ =	shalt  }
0x80: {  	_ =	shalt  }
0x81: {  	_ =	shalt  }
0x82: {  	_ =	shalt  }
0x83: {  	_ =	shalt  }
0x84: {  	_ =	shalt  }
0x85: {  	_ =	shalt  }
0x86: {  	_ =	shalt  }
0x87: {  	_ =	shalt  }
.Lfunc_end0:
.L_simem_size_0:
called_computation_lowered:
.L_overlay_start_0:
0x88: {  	s2 =	sld [smem:$0x3FD9]  }
0x89: {  	s3 =	sld [smem:$0x3FFE];
	_ =	sdelay $0x1  }
0x8a: {  	s1 =	srdreg.scid  }
0x8b: {  	s0 =	sand.u32 $0x1, s1  }
0x8c: {  	s18 =	sshll.u32 s0, $0xA;
	s2 =	sadd.s32 s3, s2  }
0x8d: {  	s2 =	sadd.s32 s2, s18  }
0x8e: {  	[smem:$0x3FC7] =	sst s2  }
0x8f: {  	_ = 	snop  }
0x90: {  	s2 =	sld [smem:$0x3FC9]  }
0x91: {  	s19 =	sld [smem:$0x3FD0];
	(tm) =	ssettm $0x1  }
0x92: {  	s4 =	sld [smem:$0x3FFB];
	_ =	sdelay $0x3  }
0x93: {  	_ =	strace s4  }
0x94: {  	s4 =	sld [smem:$0x3FFC];
	_ =	sdelay $0x3  }
0x95: {  	_ =	strace s4  }
0x96: {  	s4 =	sld [smem:$0x3FFD];
	_ =	sdelay $0x3  }
0x97: {  	_ =	strace s4  }
0x98: {  	_ =	strace $0x8FFFFFFF  }
0x99: {  	s20 =	sld [smem:$0x3FDB];
	_ =	sdelay $0x1  }
0x9a: {  	s5 =	simm.s32 $_scs_section_size  }
0x9b: {  	s6 =	simm.s32 $_size__tile_overlayer_lowered;
	s7 =	simm.s32 $_tile_overlayer_lowered  }
0x9c: {  	s23 =	simm.s32 $0x1BFF;
	s22 =	sshll.u32 s7, $0x1;
	s4 =	sadd.s32 s5, s20  }
0x9d: {  	s8 =	simm.s32 $0x0;
	s21 =	sshll.u32 s6, $0x1;
	s6 =	sadd.s32 s22, s4  }
0x9e: {  	[timem:s8], [sflag:s23] =	dma.local [hbm:s6], s21  }
0x9f: {  	_ =	swait.ge [sflag:s23], s21  }
0xa0: {  	s5 =	ssub.s32 $0x0, s21;
	[sflag:s23] =	ssyncset.done $0x0  }
0xa1: {  	[sflag:s23] =	ssyncadd.s32 s5;
	_ =	sdelay $0x1  }
0xa2: {  	s24 =	simm.s32 $0x1B8B  }
0xa3: {  	_ =	swait.ge [sflag:s24], $0x1  }
0xa4: {  	[sflag:s24] =	ssyncset.done $0x0  }
0xa5: {  	s25 =	simm.s32 $0x1B8E;
	[sflag:s24] =	ssyncadd.s32 $0xFFFFFFFF  }
0xa6: {  	s26 =	simm.s32 $execute0_lowered;
	[smem:$0x3FD2] =	sst s25  }
0xa7: {  	s5 =	sshll.u32 s26, $0x1;
	_ =	strace $0x80000046;
	[dreg:$0x1] =	wrdreg $0xFFFFFFFF  }
0xa8: {  	s28 =	simm.s32 $_size_execute0_lowered;
	s4 =	sadd.s32 s4, s5;
	[dreg:$0x0] =	wrdreg $0x0  }
0xa9: {  	s5 =	sshll.u32 s28, $0x1;
	[dreg:$0x2] =	wrdreg s4  }
0xaa: {  	[dreg:$0x3] =	wrdreg s5  }
0xab: {  	[dreg:$0x4] =	wrdreg $0xC0  }
0xac: {  	_ =	task [dreg:s8], $0x5FFFF  }
0xad: {  	[dreg:$0x1] =	wrdreg $0xFFFFFFFF  }
0xae: {  	[dreg:$0x0] =	wrdreg $0x60  }
0xaf: {  	[dreg:$0x2] =	wrdreg s2  }
0xb0: {  	[dreg:$0x3] =	wrdreg s19  }
0xb1: {  	[dreg:$0x4] =	wrdreg $0x9  }
0xb2: {  	_ =	task.clear_ibuf [dreg:s8], $0x5FFFF;
	_ =	strace $0x90000046  }
0xb3: {  	s29 =	simm.s32 $0x9;
	_ =	strace $0x80000048  }
0xb4: {  	_ =	swait.ge [sflag:s29], $0x1  }
0xb5: {  	[sflag:s29] =	ssyncadd.s32 $0xFFFFFFFF  }
0xb6: {  	_ =	strace $0x90000048  }
0xb7: {  	_ =	sfence  }
0xb8: {  	s30 =	sld [smem:$0x0];
	_ =	sdelay $0x2  }
0xb9: {  	s31 =	sshll.u32 s1, $0xD;
	s1 =	sshrl.u32 s1, $0x2  }
0xba: {  	s3 =	sand.u32 $0x4000, s31;
	s1 =	sadd.s32 s1, s30  }
0xbb: {  	s0 =	sor.u32 s3, s0;
	s1 =	sshll.u32 s1, $0x11  }
0xbc: {  	s0 =	sor.u32 s1, s0  }
0xbd: {  	s0 =	sadd.s32 $0x8F2B, s0  }
0xbe: {  	[sflag:s0] =	ssyncadd.remote.s32 $0x1  }
0xbf: {  	_ =	sfence.sel $0xFFFF  }
0xc0: {  	[dreg:$0x0] =	wrdreg $0xFFFFFFFF;
	(pc) =	sbr.abs _section_cstart, $3  }
0xc1: {  	[dreg:$0x1] =	wrdreg $0xFFFFFFFF  }
0xc2: {  	_ =	task.clear_ibuf [dreg:s8], $0x2FFFF;
	_ =	strace $0x9FFFFFFF  }
0xc3: {  	(tm) =	ssettm $0x7FFFFFFF  }
tec
execute0_lowered:
.L_overlay_start_1:
0x0: {  	(tag) =	ssettag $0x1  }
0x1: {  	s1 =	srdreg.scid;
	s0 =	stileid.u32  }
0x2: {  	s23 =	sand.u32 $0x1, s1;
	s29 =	sshll.u32 s0, $0x1  }
0x3: {  	s9 =	sor.u32 s23, s29  }
0x4: {  	s12 =	smul.u32 $0x3, s9;
	_ =	sdelay $0x1  }
0x5: {  	s15 =	rddreg [dreg:$0x0];
	s4 =	smul.u32 $0xC00, s9;
	s2 =	sand.u32 $0x1F, s12  }
0x6: {  	s21 =	rddreg [dreg:$0x1];
	s17 =	sadd.s32 $0x1, s12;
	s3 =	smul.u32 $0x831FB, s2  }
0x7: {  	s1 =	rddreg [dreg:$0x2];
	s19 =	sadd.s32 $0x1000, s15;
	s5 =	sand.u32 $0x1F, s17  }
0x8: {  	s4 =	sand.u32 $0x18000, s4;
	s5 =	smul.u32 $0x831FB, s5;
	s3 =	sshrl.u32 s3, $0x9  }
0x9: {  	s2 =	simm.s32 $0x0;
	s30 =	sshll.u32 s17, $0xA;
	s3 =	sand.u32 $0x7F00, s3  }
0xa: {  	[smem:$0x7FF] =	sst s2;
	s5 =	sshrl.u32 s5, $0x9;
	s3 =	sor.u32 s3, s4  }
0xb: {  	s4 =	sand.u32 $0x38000, s30;
	s5 =	sand.u32 $0x7F00, s5;
	s6 =	sshll.u32 s3, $0x5  }
0xc: {  	_ =	strace $0x80000047;
	s5 =	sor.u32 s5, s4;
	s3 =	sadd.s32 s15, s6  }
0xd: {  	[tilespmem:s2], [sflag:$0x1] =	stream.linear.gather [hbm4b:s3+s2], $0x8000, $0x38;
	[tilespmem:$0x18000] =	vst v63  }
0xe: {  	s4 =	sadd.s32 s6, s19;
	s11 =	sshll.u32 s5, $0x5;
	s5 =	simm.s32 $0x8000  }
0xf: {  	[tilespmem:s5], [sflag:$0x2] =	stream.linear.gather [hbm4b:s4+s2], $0x8000, $0x38;
	[tilespmem:$0x18000] =	vst v63  }
0x10: {  	s7 =	simm.s32 $0x10000;
	s8 =	simm.s32 $0x1;
	s6 =	sadd.s32 s15, s11  }
0x11: {  	[tilespmem:s7], [sflag:$0x3] =	stream.linear.gather [hbm4b:s6+s2], $0x8000, $0x38;
	[tilespmem:$0x18000] =	vst v63  }
0x12: {  	s13 =	smul.u32 $0x6000, s9;
	_ =	swait.ge [sflag:s8], $0x8000  }
0x13: {  	s10 =	simm.s32 $0x4;
	[sflag:s8] =	ssyncset.done $0x0  }
0x14: {  	s9 =	sadd.s32 s21, s13;
	s22 =	sadd.s32 $0x2, s12;
	[sflag:s8] =	ssyncadd.s32 $0xFFFF8000  }
0x15: {  	[hbm4b:s9+s2] =	stream.linear.scatter [tilespmem:s2], [sflag:$0x4], $0x8000, $0x38;
	[tilespmem:$0x18000] =	vst v63  }
0x16: {  	s12 =	sand.u32 $0x1F, s22;
	_ =	swait.ge [sflag:s10], $0x8000  }
0x17: {  	s24 =	sadd.s32 $0x1000, s21;
	s14 =	smul.u32 $0x831FB, s12;
	[sflag:s10] =	ssyncset.done $0x0  }
0x18: {  	s12 =	simm.s32 $0x2;
	s11 =	sadd.s32 s11, s19;
	[sflag:s10] =	ssyncadd.s32 $0xFFFF8000  }
0x19: {  	[tilespmem:s2], [sflag:$0x1] =	stream.linear.gather [hbm4b:s11+s2], $0x8000, $0x38;
	[tilespmem:$0x18000] =	vst v63  }
0x1a: {  	s13 =	sadd.s32 s13, s24;
	s16 =	sshll.u32 s22, $0xA;
	_ =	swait.ge [sflag:s12], $0x8000  }
0x1b: {  	s16 =	sand.u32 $0x38000, s16;
	s14 =	sshrl.u32 s14, $0x9;
	[sflag:s12] =	ssyncset.done $0x0  }
0x1c: {  	s18 =	sand.u32 $0x7F00, s14;
	s14 =	simm.s32 $0x5;
	[sflag:s12] =	ssyncadd.s32 $0xFFFF8000  }
0x1d: {  	[hbm4b:s13+s2] =	stream.linear.scatter [tilespmem:s5], [sflag:$0x5], $0x8000, $0x38;
	[tilespmem:$0x18000] =	vst v63  }
0x1e: {  	s16 =	sor.u32 s18, s16;
	_ =	swait.ge [sflag:s14], $0x8000  }
0x1f: {  	s20 =	sshll.u32 s16, $0x5;
	[sflag:s14] =	ssyncset.done $0x0  }
0x20: {  	s16 =	simm.s32 $0x3;
	s15 =	sadd.s32 s15, s20;
	[sflag:s14] =	ssyncadd.s32 $0xFFFF8000  }
0x21: {  	[tilespmem:s5], [sflag:$0x2] =	stream.linear.gather [hbm4b:s15+s2], $0x8000, $0x38;
	[tilespmem:$0x18000] =	vst v63  }
0x22: {  	_ =	swait.ge [sflag:s16], $0x8000  }
0x23: {  	s25 =	sshll.u32 s17, $0xD;
	[sflag:s16] =	ssyncset.done $0x0  }
0x24: {  	s17 =	simm.s32 $0x6;
	s18 =	sadd.s32 s21, s25;
	[sflag:s16] =	ssyncadd.s32 $0xFFFF8000  }
0x25: {  	[hbm4b:s18+s2] =	stream.linear.scatter [tilespmem:s7], [sflag:$0x6], $0x8000, $0x38;
	[tilespmem:$0x18000] =	vst v63  }
0x26: {  	_ =	swait.ge [sflag:s17], $0x8000  }
0x27: {  	[sflag:s17] =	ssyncset.done $0x0  }
0x28: {  	s19 =	sadd.s32 s20, s19;
	[sflag:s17] =	ssyncadd.s32 $0xFFFF8000  }
0x29: {  	[tilespmem:s7], [sflag:$0x3] =	stream.linear.gather [hbm4b:s19+s2], $0x8000, $0x38;
	[tilespmem:$0x18000] =	vst v63  }
0x2a: {  	_ =	swait.ge [sflag:s8], $0x8000  }
0x2b: {  	[sflag:s8] =	ssyncset.done $0x0  }
0x2c: {  	s20 =	sadd.s32 s25, s24;
	[sflag:s8] =	ssyncadd.s32 $0xFFFF8000  }
0x2d: {  	[hbm4b:s20+s2] =	stream.linear.scatter [tilespmem:s2], [sflag:$0x4], $0x8000, $0x38;
	[tilespmem:$0x18000] =	vst v63  }
0x2e: {  	_ =	swait.ge [sflag:s12], $0x8000  }
0x2f: {  	s22 =	sshll.u32 s22, $0xD;
	[sflag:s12] =	ssyncset.done $0x0  }
0x30: {  	s21 =	sadd.s32 s21, s22;
	[sflag:s12] =	ssyncadd.s32 $0xFFFF8000  }
0x31: {  	[hbm4b:s21+s2] =	stream.linear.scatter [tilespmem:s5], [sflag:$0x5], $0x8000, $0x38;
	[tilespmem:$0x18000] =	vst v63  }
0x32: {  	_ =	swait.ge [sflag:s16], $0x8000  }
0x33: {  	s23 =	ssub.s32 $0x2, s23;
	[sflag:s16] =	ssyncset.done $0x0  }
0x34: {  	s31 =	sshrl.u32 s23, $0x1;
	s22 =	sadd.s32 s22, s24;
	[sflag:s16] =	ssyncadd.s32 $0xFFFF8000  }
0x35: {  	[hbm4b:s22+s2] =	stream.linear.scatter [tilespmem:s7], [sflag:$0x6], $0x8000, $0x38;
	[tilespmem:$0x18000] =	vst v63  }
0x36: {  	s23 =	ssub.s32 s23, s31;
	_ =	swait.ge [sflag:s10], $0x8000  }
0x37: {  	s23 =	smax.u32 s23, $0x1;
	[sflag:s10] =	ssyncset.done $0x0  }
0x38: {  	p0 =	sne.s32 s23, $0x1;
	[sflag:s10] =	ssyncadd.s32 $0xFFFF8000  }
.Ltmp0:
0x39: {  	_ =	swait.ge [sflag:s14], $0x8000;
	(pc) =	sbr.rel @!p0 .LBB2_2-.Ltmp0, $4  }
0x3a: {  	[sflag:s14] =	ssyncset.done $0x0  }
0x3b: {  	[sflag:s14] =	ssyncadd.s32 $0xFFFF8000  }
0x3c: {  	_ =	swait.ge [sflag:s17], $0x8000  }
0x3d: {  	s23 =	sadd.s32 $0xFFFFFFFF, s23;
	[sflag:s17] =	ssyncset.done $0x0  }
.LBB2_1:
0x3e: {  	p0 =	sne.s32 s23, $0x1;
	s23 =	sadd.s32 $0xFFFFFFFF, s23;
	[sflag:s17] =	ssyncadd.s32 $0xFFFF8000  }
0x3f: {  	[tilespmem:s2], [sflag:$0x1] =	stream.linear.gather [hbm4b:s3+s2], $0x8000, $0x38;
	[tilespmem:$0x18000] =	vst v63  }
0x40: {  	_ = 	snop  }
0x41: {  	[tilespmem:s5], [sflag:$0x2] =	stream.linear.gather [hbm4b:s4+s2], $0x8000, $0x38;
	[tilespmem:$0x18000] =	vst v63  }
0x42: {  	_ = 	snop  }
0x43: {  	[tilespmem:s7], [sflag:$0x3] =	stream.linear.gather [hbm4b:s6+s2], $0x8000, $0x38;
	[tilespmem:$0x18000] =	vst v63  }
0x44: {  	_ =	swait.ge [sflag:s8], $0x8000  }
0x45: {  	[sflag:s8] =	ssyncset.done $0x0  }
0x46: {  	[sflag:s8] =	ssyncadd.s32 $0xFFFF8000  }
0x47: {  	[hbm4b:s9+s2] =	stream.linear.scatter [tilespmem:s2], [sflag:$0x4], $0x8000, $0x38;
	[tilespmem:$0x18000] =	vst v63  }
0x48: {  	_ =	swait.ge [sflag:s10], $0x8000  }
0x49: {  	[sflag:s10] =	ssyncset.done $0x0  }
0x4a: {  	[sflag:s10] =	ssyncadd.s32 $0xFFFF8000  }
0x4b: {  	[tilespmem:s2], [sflag:$0x1] =	stream.linear.gather [hbm4b:s11+s2], $0x8000, $0x38;
	[tilespmem:$0x18000] =	vst v63  }
0x4c: {  	_ =	swait.ge [sflag:s12], $0x8000  }
0x4d: {  	[sflag:s12] =	ssyncset.done $0x0  }
0x4e: {  	[sflag:s12] =	ssyncadd.s32 $0xFFFF8000  }
0x4f: {  	[hbm4b:s13+s2] =	stream.linear.scatter [tilespmem:s5], [sflag:$0x5], $0x8000, $0x38;
	[tilespmem:$0x18000] =	vst v63  }
0x50: {  	_ =	swait.ge [sflag:s14], $0x8000  }
0x51: {  	[sflag:s14] =	ssyncset.done $0x0  }
0x52: {  	[sflag:s14] =	ssyncadd.s32 $0xFFFF8000  }
0x53: {  	[tilespmem:s5], [sflag:$0x2] =	stream.linear.gather [hbm4b:s15+s2], $0x8000, $0x38;
	[tilespmem:$0x18000] =	vst v63  }
0x54: {  	_ =	swait.ge [sflag:s16], $0x8000  }
0x55: {  	[sflag:s16] =	ssyncset.done $0x0  }
0x56: {  	[sflag:s16] =	ssyncadd.s32 $0xFFFF8000  }
0x57: {  	[hbm4b:s18+s2] =	stream.linear.scatter [tilespmem:s7], [sflag:$0x6], $0x8000, $0x38;
	[tilespmem:$0x18000] =	vst v63  }
0x58: {  	_ =	swait.ge [sflag:s17], $0x8000  }
0x59: {  	[sflag:s17] =	ssyncset.done $0x0  }
0x5a: {  	[sflag:s17] =	ssyncadd.s32 $0xFFFF8000  }
0x5b: {  	[tilespmem:s7], [sflag:$0x3] =	stream.linear.gather [hbm4b:s19+s2], $0x8000, $0x38;
	[tilespmem:$0x18000] =	vst v63  }
0x5c: {  	_ =	swait.ge [sflag:s8], $0x8000  }
0x5d: {  	[sflag:s8] =	ssyncset.done $0x0  }
0x5e: {  	[sflag:s8] =	ssyncadd.s32 $0xFFFF8000  }
0x5f: {  	[hbm4b:s20+s2] =	stream.linear.scatter [tilespmem:s2], [sflag:$0x4], $0x8000, $0x38;
	[tilespmem:$0x18000] =	vst v63  }
0x60: {  	_ =	swait.ge [sflag:s12], $0x8000  }
0x61: {  	[sflag:s12] =	ssyncset.done $0x0  }
0x62: {  	[sflag:s12] =	ssyncadd.s32 $0xFFFF8000  }
0x63: {  	[hbm4b:s21+s2] =	stream.linear.scatter [tilespmem:s5], [sflag:$0x5], $0x8000, $0x38;
	[tilespmem:$0x18000] =	vst v63  }
0x64: {  	_ =	swait.ge [sflag:s16], $0x8000  }
0x65: {  	[sflag:s16] =	ssyncset.done $0x0  }
0x66: {  	[sflag:s16] =	ssyncadd.s32 $0xFFFF8000  }
0x67: {  	[hbm4b:s22+s2] =	stream.linear.scatter [tilespmem:s7], [sflag:$0x6], $0x8000, $0x38;
	[tilespmem:$0x18000] =	vst v63  }
0x68: {  	_ =	swait.ge [sflag:s10], $0x8000  }
0x69: {  	[sflag:s10] =	ssyncset.done $0x0  }
0x6a: {  	[sflag:s10] =	ssyncadd.s32 $0xFFFF8000  }
.Ltmp1:
0x6b: {  	_ =	swait.ge [sflag:s14], $0x8000;
	(pc) =	sbr.rel @p0 .LBB2_1-.Ltmp1, $4  }
0x6c: {  	[sflag:s14] =	ssyncset.done $0x0  }
0x6d: {  	[sflag:s14] =	ssyncadd.s32 $0xFFFF8000  }
0x6e: {  	_ =	swait.ge [sflag:s17], $0x8000  }
0x6f: {  	[sflag:s17] =	ssyncset.done $0x0  }
.LBB2_2:
0x70: {  	[sflag:s17] =	ssyncadd.s32 $0xFFFF8000  }
0x71: {  	_ =	sfence.sel $0x180000  }
0x72: {  	[bflag:$0x0] =	sbarrier.arrive $0xFFFF  }
0x73: {  	p0 =	sne.s32 s0, $0x0;
	_ =	strace $0x90000047  }
0x74: {  	s0 =	sadd.s32 @!p0 $0x100000, s1;
	[bflag:$0x2] =	sbarrier.arrive $0xFFFF  }
0x75: {  	[sflag:s0] =	ssyncadd.tile.s32 @!p0 $0x1;
	_ =	shalt  }
.Lfunc_end2:
_tile_overlayer_lowered:
.L_overlay_start_2:
0x76: {  	(tag) =	ssettag $0x2  }
0x77: {  	s0 =	rddreg [dreg:$0x0];
	s2 =	stileid.u32  }
0x78: {  	s1 =	rddreg [dreg:$0x1];
	p0 =	sne.s32 s2, $0x0  }
0x79: {  	s3 =	rddreg [dreg:$0x2];
	[bflag:$0x3] =	sbarrier.arrive $0xFFFF;
	s2 =	simm.s32 @!p0 $0x1C07  }
0x7a: {  	[timem:s3], [sflag:s2] =	dma.local @!p0 [hbm:s0], s1  }
0x7b: {  	s0 =	simm.s32 @!p0 $0x7  }
0x7c: {  	_ =	swait.ge @!p0 [sflag:s0], s1  }
0x7d: {  	s1 =	ssub.s32 @!p0 $0x0, s1;
	[sflag:s0] =	ssyncset.done @!p0 $0x0  }
0x7e: {  	[sflag:s0] =	ssyncadd.s32 @!p0 s1  }
0x7f: {  	[bflag:$0x3] =	sbarrier.arrive $0xFFFF  }
0x80: {  	_ =	shalt  }

</sc_bundles>
